<compile_context>
chip_gen: v7x
topology: tpu7x:2x2x1
jax: 0.10.2.dev20260603
libtpu: 0.0.44.dev20260713+nightly
codegen_flags: <defaults>
</compile_context>

<pallas_src>
import functools

import jax
import jax.numpy as jnp
from jax import lax
from jax.experimental import pallas as pl
from jax.experimental.pallas import tpu as pltpu
from jax.experimental.pallas import tpu_sc as plsc

N = 10000
E = 160000
EMB = 512
REC = 256
HID = 1024

NP = 10240
EPAD = 163840
NTILE = 16
EPT = EPAD // NTILE
CH = 128
NCH = EPT // CH
NST = 1
NCHS = NCH // NST
ROWS_PT = NP // NTILE
NBUF = 3
NPASS = 2
BLK = 512
BLKC = 400

_mesh = plsc.VectorSubcoreMesh(core_axis_name="c", subcore_axis_name="s")


@functools.partial(
    pl.kernel,
    mesh=_mesh,
    out_type=jax.ShapeDtypeStruct((NP,), jnp.float32),
    scratch_types=[
        pltpu.VMEM((EPT,), jnp.int32),
        pltpu.VMEM((NP,), jnp.float32),
        pltpu.VMEM((ROWS_PT,), jnp.float32),
        pltpu.VMEM((ROWS_PT,), jnp.float32),
        pltpu.VMEM_SHARED((NTILE, NP), jnp.float32),
    ],
    compiler_params=pltpu.CompilerParams(needs_layout_passes=False),
)
def _sc_deg(src_hbm, dis_hbm, src_v, deg_v, tot_v, tmp_v, red_sh):
    sid = lax.axis_index("s")
    pltpu.sync_copy(src_hbm.at[sid], src_v)

    zv = jnp.zeros((16,), jnp.float32)

    def _zero(i, _):
        deg_v[pl.ds(i * 16, 16)] = zv
        return ()

    lax.fori_loop(0, NP // 16, _zero, ())

    ones = jnp.ones((16,), jnp.float32)

    def _count(e, _):
        idx = src_v[pl.ds(e * 16, 16)]
        plsc.addupdate_scatter(deg_v, [idx], ones)
        return ()

    lax.fori_loop(0, EPT // 16, _count, ())

    pltpu.sync_copy(deg_v, red_sh.at[sid])
    plsc.subcore_barrier()

    base = sid * ROWS_PT
    pltpu.sync_copy(red_sh.at[0, pl.ds(base, ROWS_PT)], tot_v)

    def _accum_tile(t, _):
        pltpu.sync_copy(red_sh.at[t, pl.ds(base, ROWS_PT)], tmp_v)

        def _addv(k, _):
            sl = pl.ds(k * 16, 16)
            tot_v[sl] = tot_v[sl] + tmp_v[sl]
            return ()

        lax.fori_loop(0, ROWS_PT // 16, _addv, ())
        return ()

    lax.fori_loop(1, NTILE, _accum_tile, ())

    def _rsqrt(k, _):
        sl = pl.ds(k * 16, 16)
        d = tot_v[sl]
        i = plsc.bitcast(d, jnp.int32)
        i = 0x5F3759DF - lax.shift_right_logical(i, 1)
        y = plsc.bitcast(i, jnp.float32)
        y = y * (1.5 - 0.5 * d * y * y)
        y = y * (1.5 - 0.5 * d * y * y)
        y = y * (1.5 - 0.5 * d * y * y)
        tot_v[sl] = jnp.where(d > 0.5, y, 0.0)
        return ()

    lax.fori_loop(0, ROWS_PT // 16, _rsqrt, ())
    pltpu.sync_copy(tot_v, dis_hbm.at[pl.ds(base, ROWS_PT)])


QC = 128 // NPASS


@functools.partial(
    pl.kernel,
    mesh=_mesh,
    out_type=jax.ShapeDtypeStruct((2, NP, 128), jnp.float32),
    scratch_types=[
        pltpu.VMEM((NCHS, CH), jnp.int32),
        pltpu.VMEM((NCHS, CH), jnp.int32),
        pltpu.VMEM((NBUF, CH, QC), jnp.float32),
        pltpu.VMEM_SHARED((NP, QC), jnp.float32),
        pltpu.VMEM_SHARED((NP, QC), jnp.float32),
        pltpu.SemaphoreType.DMA((NBUF,)),
        pltpu.SemaphoreType.DMA((NBUF,)),
    ],
    compiler_params=pltpu.CompilerParams(needs_layout_passes=False,
                                         use_tc_tiling_on_sc=False),
)
def _sc_agg(src_hbm, dst_hbm, gp_hbm, acc_hbm, src_v, dst_v, rows_v, gp_sh,
            acc_sh, gsems, ssems):
    cid = lax.axis_index("c")
    sid = lax.axis_index("s")
    r0 = sid * ROWS_PT
    zv = jnp.zeros((16,), jnp.float32)

    for p in range(NPASS):
        pltpu.sync_copy(
            gp_hbm.at[cid, pl.ds(r0, ROWS_PT), pl.ds(QC * p, QC)],
            gp_sh.at[pl.ds(r0, ROWS_PT)])

        def _zero(i, _):
            rows_v[0, i // (QC // 16), pl.ds((i % (QC // 16)) * 16, 16)] = zv
            return ()

        lax.fori_loop(0, CH * (QC // 16), _zero, ())
        for k in range(ROWS_PT // CH):
            pltpu.sync_copy(rows_v.at[0],
                            acc_sh.at[pl.ds(r0 + k * CH, CH)])
        plsc.subcore_barrier()

        if p == 0:
            pltpu.sync_copy(src_hbm.at[sid], src_v)
            pltpu.sync_copy(dst_hbm.at[sid], dst_v)
        for b in range(NBUF - 1):
            pltpu.async_copy(gp_sh.at[src_v.at[b]], rows_v.at[b], gsems.at[b])

        def _chunk(j, _):
            b = lax.rem(j, NBUF)
            jn = j + NBUF - 1
            bn = lax.rem(jn, NBUF)

            @pl.when(jnp.logical_and(jn < NCHS, j >= 1))
            def _():
                pltpu.make_async_copy(rows_v.at[bn],
                                      acc_sh.at[dst_v.at[j - 1]],
                                      ssems.at[bn]).wait()

            @pl.when(jn < NCHS)
            def _():
                pltpu.async_copy(gp_sh.at[src_v.at[jn]], rows_v.at[bn],
                                 gsems.at[bn])

            pltpu.make_async_copy(gp_sh.at[src_v.at[j]], rows_v.at[b],
                                  gsems.at[b]).wait()
            pltpu.async_copy(rows_v.at[b], acc_sh.at[dst_v.at[j]],
                             ssems.at[b], add=True)
            return ()

        lax.fori_loop(0, NCHS, _chunk, ())
        for j in range(NCHS - NBUF, NCHS):
            pltpu.make_async_copy(rows_v.at[j % NBUF],
                                  acc_sh.at[dst_v.at[j]],
                                  ssems.at[j % NBUF]).wait()
        plsc.subcore_barrier()

        pltpu.sync_copy(
            acc_sh.at[pl.ds(r0, ROWS_PT)],
            acc_hbm.at[cid, pl.ds(r0, ROWS_PT), pl.ds(QC * p, QC)])
        plsc.subcore_barrier()


def _dense_body(x_ref, w1_ref, b1_ref, w2_ref, b2_ref, w0_ref, wc1_ref,
                bc_ref, base_ref, g_ref):
    h = lax.dot_general(x_ref[...], w1_ref[...], (((1,), (1,)), ((), ())),
                        preferred_element_type=jnp.float32)
    h = jnp.maximum(h + b1_ref[...], 0.0)
    h = lax.dot_general(h, w2_ref[...], (((1,), (1,)), ((), ())),
                        preferred_element_type=jnp.float32)
    h = jnp.maximum(h + b2_ref[...], 0.0)
    base_ref[...] = jnp.dot(h, w0_ref[...],
                            preferred_element_type=jnp.float32) + bc_ref[...]
    g_ref[...] = jnp.dot(h, wc1_ref[...], preferred_element_type=jnp.float32)


def _dense(x, w1, b1, w2, b2, w0, wc1, bc):
    nb = NP // BLK
    return pl.pallas_call(
        _dense_body,
        grid=(nb,),
        in_specs=[
            pl.BlockSpec((BLK, EMB), lambda i: (i, 0)),
            pl.BlockSpec((HID, EMB), lambda i: (0, 0)),
            pl.BlockSpec((1, HID), lambda i: (0, 0)),
            pl.BlockSpec((REC, HID), lambda i: (0, 0)),
            pl.BlockSpec((1, REC), lambda i: (0, 0)),
            pl.BlockSpec((REC, REC), lambda i: (0, 0)),
            pl.BlockSpec((REC, REC), lambda i: (0, 0)),
            pl.BlockSpec((1, REC), lambda i: (0, 0)),
        ],
        out_specs=[
            pl.BlockSpec((BLK, REC), lambda i: (i, 0)),
            pl.BlockSpec((BLK, REC), lambda i: (i, 0)),
        ],
        out_shape=[
            jax.ShapeDtypeStruct((NP, REC), jnp.float32),
            jax.ShapeDtypeStruct((NP, REC), jnp.float32),
        ],
    )(x, w1, b1, w2, b2, w0, wc1, bc)


def _scale_body(g_ref, dis_ref, gp_ref):
    gp = (-dis_ref[...]) * g_ref[...]
    gp_ref[0] = gp[:, :128]
    gp_ref[1] = gp[:, 128:]


def _scale(g, dis1):
    nb = NP // BLK
    return pl.pallas_call(
        _scale_body,
        grid=(nb,),
        in_specs=[
            pl.BlockSpec((BLK, REC), lambda i: (i, 0)),
            pl.BlockSpec((BLK, 1), lambda i: (i, 0)),
        ],
        out_specs=pl.BlockSpec((2, BLK, 128), lambda i: (0, i, 0)),
        out_shape=jax.ShapeDtypeStruct((2, NP, 128), jnp.float32),
    )(g, dis1)


def _combine_body(base_ref, acc_ref, dis_ref, out_ref):
    accf = jnp.concatenate([acc_ref[0], acc_ref[1]], axis=1)
    out_ref[...] = base_ref[...] + dis_ref[...] * accf


def _combine(base, acc3, dis1):
    nb = N // BLKC
    return pl.pallas_call(
        _combine_body,
        grid=(nb,),
        in_specs=[
            pl.BlockSpec((BLKC, REC), lambda i: (i, 0)),
            pl.BlockSpec((2, BLKC, 128), lambda i: (0, i, 0)),
            pl.BlockSpec((BLKC, 1), lambda i: (i, 0)),
        ],
        out_specs=pl.BlockSpec((BLKC, REC), lambda i: (i, 0)),
        out_shape=jax.ShapeDtypeStruct((N, REC), jnp.float32),
    )(base, acc3, dis1)


def kernel(x, edge_index, W_fc1, b_fc1, W_fc2, b_fc2, W_cheb0, W_cheb1, b_cheb):
    src = edge_index[0]
    dst = edge_index[1]
    pad = jnp.full((EPAD - E,), NP - 1, jnp.int32)
    srcp = jnp.concatenate([src, pad])
    dstp = jnp.concatenate([dst, pad])

    src_a = srcp.reshape(NTILE, EPT)
    dis = _sc_deg(src_a)
    dis1 = dis.reshape(NP, 1)

    base, g = _dense(x, W_fc1, b_fc1.reshape(1, HID), W_fc2,
                     b_fc2.reshape(1, REC), W_cheb0, W_cheb1,
                     b_cheb.reshape(1, REC))

    gp = _scale(g, dis1)

    src_c = srcp.reshape(NTILE, NCH, CH)
    dst_c = dstp.reshape(NTILE, NCH, CH)
    acc = _sc_agg(src_c, dst_c, gp)

    return _combine(base, acc, dis1)

# --- scband reference (transcript-rebuilt; emitter-appended) ---
"""Pipeline reference for scband-graph-decoder-609885356346 (READ-ONLY COPY).

The authoritative reference and input builder live on the scoring server;
editing this copy changes nothing except your own understanding.
"""

import jax, jax.numpy as jnp
import numpy as np

N = 10000
E = 160000
EMB = 512
REC = 256
HID = 1024


def setup_inputs(seed: int = 0) -> dict:
    key = jax.random.key(seed)
    ks = jax.random.split(key, 10)
    x = jax.random.normal(ks[0], (N, EMB), dtype=jnp.float32)
    edge_index = jax.random.randint(ks[1], (2, E), 0, N, dtype=jnp.int32)
    # fc_g1: Linear(EMB, 1024)
    W_fc1 = jax.random.normal(ks[2], (HID, EMB), dtype=jnp.float32) * (1.0 / np.sqrt(EMB))
    b_fc1 = jnp.zeros((HID,), dtype=jnp.float32)
    # fc_g2: Linear(1024, REC)
    W_fc2 = jax.random.normal(ks[3], (REC, HID), dtype=jnp.float32) * (1.0 / np.sqrt(HID))
    b_fc2 = jnp.zeros((REC,), dtype=jnp.float32)
    # ChebConv(REC, REC, K=2): two weight matrices [REC, REC] + bias
    W_cheb0 = jax.random.normal(ks[4], (REC, REC), dtype=jnp.float32) * (1.0 / np.sqrt(REC))
    W_cheb1 = jax.random.normal(ks[5], (REC, REC), dtype=jnp.float32) * (1.0 / np.sqrt(REC))
    b_cheb = jnp.zeros((REC,), dtype=jnp.float32)
    return {
        "x": x,
        "edge_index": edge_index,
        "W_fc1": W_fc1,
        "b_fc1": b_fc1,
        "W_fc2": W_fc2,
        "b_fc2": b_fc2,
        "W_cheb0": W_cheb0,
        "W_cheb1": W_cheb1,
        "b_cheb": b_cheb,
    }


def reference(x, edge_index, W_fc1, b_fc1, W_fc2, b_fc2, W_cheb0, W_cheb1, b_cheb):
    # fc_g1 -> relu
    h = jax.nn.relu(x @ W_fc1.T + b_fc1)
    # fc_g2 -> relu
    h = jax.nn.relu(h @ W_fc2.T + b_fc2)
    # ChebConv K=2, sym normalization, lambda_max=2.0 (PyG default):
    # L_hat = L - I = -D^{-1/2} A D^{-1/2}
    src = edge_index[0]
    dst = edge_index[1]
    n = h.shape[0]
    ones = jnp.ones(src.shape[0], dtype=h.dtype)
    deg = jnp.zeros((n,), dtype=h.dtype).at[src].add(ones)
    deg_inv_sqrt = jnp.where(deg > 0, jax.lax.rsqrt(jnp.maximum(deg, 1e-12)), 0.0)
    norm = -deg_inv_sqrt[src] * deg_inv_sqrt[dst]
    Tx0 = h
    Tx1 = jnp.zeros_like(h).at[dst].add(norm[:, None] * h[src])
    out = Tx0 @ W_cheb0 + Tx1 @ W_cheb1 + b_cheb
    return out

if __name__ == "__main__":
    import jax
    _d = setup_inputs()
    print(jax.jit(kernel)(*tuple(_d.values())))

</pallas_src>

<mosaic_0001>
#map = affine_map<(d0, d1) -> (0, 0, 0)>
module attributes {stable_mosaic.version = 14 : i64} {
  func.func @_sc_agg(%arg0: i32, %arg1: i32, %arg2: memref<16x80x128xi32, #tpu.memory_space<hbm>>, %arg3: memref<16x80x128xi32, #tpu.memory_space<hbm>>, %arg4: memref<2x10240x128xf32, #tpu.memory_space<hbm>>, %arg5: memref<2x10240x128xf32, #tpu.memory_space<hbm>>, %arg6: memref<80x128xi32, #tpu.memory_space<vmem>>, %arg7: memref<80x128xi32, #tpu.memory_space<vmem>>, %arg8: memref<3x128x64xf32, #tpu.memory_space<vmem>>, %arg9: memref<10240x64xf32, #tpu.memory_space<vmem_shared>>, %arg10: memref<10240x64xf32, #tpu.memory_space<vmem_shared>>, %arg11: memref<3x!tpu.dma_semaphore, #tpu.memory_space<semaphore_mem>>, %arg12: memref<3x!tpu.dma_semaphore, #tpu.memory_space<semaphore_mem>>) attributes {dimension_semantics = [#tpu.dimension_semantics<core_parallel>, #tpu.dimension_semantics<subcore_parallel>], iteration_bounds = array<i64: 2, 16>, scalar_prefetch = 0 : i64, scratch_operands = 7 : i64, tpu.core_type = #tpu.core_type<sc_vector_subcore>, window_params = [{transform_indices = #map}, {transform_indices = #map}, {transform_indices = #map}, {transform_indices = #map}]} {
    %mul3A = arith.constant 640 : i32
    %mul3A_0 = arith.muli %arg1, %mul3A : i32
    %broadcast_in_dim3A = arith.constant 0.000000e+00 : f32
    %broadcast_in_dim3A_1 = vector.broadcast %broadcast_in_dim3A : f32 to vector<16xf32>
    "tpu.region"() ({
      %run_scoped3A_202 = tpu.sem_alloc : memref<!tpu.dma_semaphore, #tpu.memory_space<semaphore_mem>>
      %dma_start3A_203 = arith.constant 0 : i32
      %dma_start3A_204 = tpu.memref_slice %arg9[%mul3A_0, %dma_start3A_203] : memref<10240x64xf32, #tpu.memory_space<vmem_shared>> -> memref<640x64xf32, #tpu.memory_space<vmem_shared>>
      %dma_start3A_205 = arith.constant 0 : i32
      %dma_start3A_206 = tpu.memref_slice %arg4[%arg0, %mul3A_0, %dma_start3A_205] : memref<2x10240x128xf32, #tpu.memory_space<hbm>> -> memref<1x640x64xf32, #tpu.memory_space<hbm>>
      %dma_start3A_207 = tpu.memref_squeeze %dma_start3A_206 : memref<1x640x64xf32, #tpu.memory_space<hbm>> -> memref<640x64xf32, #tpu.memory_space<hbm>>
      tpu.enqueue_dma source(%dma_start3A_207 : memref<640x64xf32, #tpu.memory_space<hbm>>) target(%dma_start3A_204 : memref<640x64xf32, #tpu.memory_space<vmem_shared>>) target_semaphore(%run_scoped3A_202 : memref<!tpu.dma_semaphore, #tpu.memory_space<semaphore_mem>>)
      %dma_wait3A_208 = arith.constant 0 : i32
      %dma_wait3A_209 = tpu.memref_slice %arg9[%mul3A_0, %dma_wait3A_208] : memref<10240x64xf32, #tpu.memory_space<vmem_shared>> -> memref<640x64xf32, #tpu.memory_space<vmem_shared>>
      %dma_wait3A_210 = arith.constant 0 : i32
      %dma_wait3A_211 = tpu.memref_slice %arg4[%arg0, %mul3A_0, %dma_wait3A_210] : memref<2x10240x128xf32, #tpu.memory_space<hbm>> -> memref<1x640x64xf32, #tpu.memory_space<hbm>>
      %dma_wait3A_212 = tpu.memref_squeeze %dma_wait3A_211 : memref<1x640x64xf32, #tpu.memory_space<hbm>> -> memref<640x64xf32, #tpu.memory_space<hbm>>
      tpu.wait_dma2 semaphore(%run_scoped3A_202 : memref<!tpu.dma_semaphore, #tpu.memory_space<semaphore_mem>>) src(%dma_wait3A_212 : memref<640x64xf32, #tpu.memory_space<hbm>>) dst(%dma_wait3A_209 : memref<640x64xf32, #tpu.memory_space<vmem_shared>>)
      tpu.yield
    }) : () -> ()
    %scan3A = arith.constant 0 : i32
    %scan3A_2 = arith.constant 512 : i32
    %scan3A_3 = arith.addi %scan3A, %scan3A_2 : i32
    %scan3A_4 = arith.constant 1 : i32
    scf.for %scan3A_202 = %scan3A to %scan3A_3 step %scan3A_4  : i32 {
      %jit3A = arith.constant 4 : i32
      %div3A = arith.divsi %scan3A_202, %jit3A : i32
      %sign3A = arith.constant 0 : i32
      %sign3A_203 = arith.cmpi sgt, %scan3A_202, %sign3A : i32
      %sign3A_204 = arith.extui %sign3A_203 : i1 to i32
      %sign3A_205 = arith.constant 0 : i32
      %sign3A_206 = arith.cmpi slt, %scan3A_202, %sign3A_205 : i32
      %sign3A_207 = arith.extui %sign3A_206 : i1 to i32
      %sign3A_208 = arith.subi %sign3A_204, %sign3A_207 : i32
      %sign3A_209 = arith.constant 0 : i32
      %sign3A_210 = arith.cmpi sgt, %jit3A, %sign3A_209 : i32
      %sign3A_211 = arith.extui %sign3A_210 : i1 to i32
      %sign3A_212 = arith.constant 0 : i32
      %sign3A_213 = arith.cmpi slt, %jit3A, %sign3A_212 : i32
      %sign3A_214 = arith.extui %sign3A_213 : i1 to i32
      %sign3A_215 = arith.subi %sign3A_211, %sign3A_214 : i32
      %ne3A = arith.cmpi ne, %sign3A_208, %sign3A_215 : i32
      %rem3A = arith.remsi %scan3A_202, %jit3A : i32
      %ne3A_216 = arith.constant 0 : i32
      %ne3A_217 = arith.cmpi ne, %rem3A, %ne3A_216 : i32
      %and3A = arith.andi %ne3A, %ne3A_217 : i1
      %sub3A = arith.constant 1 : i32
      %sub3A_218 = arith.subi %div3A, %sub3A : i32
      %select_n3A = arith.select %and3A, %sub3A_218, %div3A : i32
      %jit3A_219 = arith.constant 4 : i32
      %eq3A = arith.constant 0 : i32
      %eq3A_220 = arith.cmpi eq, %jit3A_219, %eq3A : i32
      %jit3A_221 = arith.constant 1 : i32
      %select_n3A_222 = arith.select %eq3A_220, %jit3A_221, %jit3A_219 : i32
      %rem3A_223 = arith.remsi %scan3A_202, %select_n3A_222 : i32
      %ne3A_224 = arith.constant 0 : i32
      %ne3A_225 = arith.cmpi ne, %rem3A_223, %ne3A_224 : i32
      %lt3A = arith.constant 0 : i32
      %lt3A_226 = arith.cmpi slt, %rem3A_223, %lt3A : i32
      %lt3A_227 = arith.constant 0 : i32
      %lt3A_228 = arith.cmpi slt, %select_n3A_222, %lt3A_227 : i32
      %ne3A_229 = arith.xori %lt3A_226, %lt3A_228 : i1
      %and3A_230 = arith.andi %ne3A_229, %ne3A_225 : i1
      %add3A_231 = arith.addi %rem3A_223, %select_n3A_222 : i32
      %select_n3A_232 = arith.select %and3A_230, %add3A_231, %rem3A_223 : i32
      %mul3A_233 = arith.constant 16 : i32
      %mul3A_234 = arith.muli %select_n3A_232, %mul3A_233 : i32
      %swap3A = arith.constant 0 : i32
      %swap3A_235 = arith.index_cast %swap3A : i32 to index
      %swap3A_236 = arith.index_cast %select_n3A : i32 to index
      %swap3A_237 = arith.index_cast %mul3A_234 : i32 to index
      %swap3A_238 = tpu.vector_load %arg8[%swap3A_235, %swap3A_236, %swap3A_237] {strides = array<i32>} : memref<3x128x64xf32, #tpu.memory_space<vmem>>, vector<16xf32>,
      tpu.vector_store %arg8[%swap3A_235, %swap3A_236, %swap3A_237], %broadcast_in_dim3A_1 {strides = array<i32>} : memref<3x128x64xf32, #tpu.memory_space<vmem>>, vector<16xf32>,
    }
    %scan3A_5 = arith.constant 512 : i32
    %add3A = arith.constant 0 : i32
    %add3A_6 = arith.addi %mul3A_0, %add3A : i32
    %run_scoped3A = arith.constant 0 : i32
    "tpu.region"() ({
      %run_scoped3A_202 = tpu.sem_alloc : memref<!tpu.dma_semaphore, #tpu.memory_space<semaphore_mem>>
      %dma_start3A_203 = arith.constant 0 : i32
      %dma_start3A_204 = arith.constant 0 : i32
      %dma_start3A_205 = tpu.memref_slice %arg8[%run_scoped3A, %dma_start3A_203, %dma_start3A_204] : memref<3x128x64xf32, #tpu.memory_space<vmem>> -> memref<1x128x64xf32, #tpu.memory_space<vmem>>
      %dma_start3A_206 = tpu.memref_squeeze %dma_start3A_205 : memref<1x128x64xf32, #tpu.memory_space<vmem>> -> memref<128x64xf32, #tpu.memory_space<vmem>>
      %dma_start3A_207 = arith.constant 0 : i32
      %dma_start3A_208 = tpu.memref_slice %arg10[%add3A_6, %dma_start3A_207] : memref<10240x64xf32, #tpu.memory_space<vmem_shared>> -> memref<128x64xf32, #tpu.memory_space<vmem_shared>>
      %dma_start3A_209 = arith.constant 0 : i32
      %dma_start3A_210 = tpu.memref_slice %arg10[%add3A_6, %dma_start3A_209] : memref<10240x64xf32, #tpu.memory_space<vmem_shared>> -> memref<128x64xf32, #tpu.memory_space<vmem_shared>>
      %dma_start3A_211 = arith.constant 0 : i32
      %dma_start3A_212 = arith.constant 0 : i32
      %dma_start3A_213 = tpu.memref_slice %arg8[%run_scoped3A, %dma_start3A_211, %dma_start3A_212] : memref<3x128x64xf32, #tpu.memory_space<vmem>> -> memref<1x128x64xf32, #tpu.memory_space<vmem>>
      %dma_start3A_214 = tpu.memref_squeeze %dma_start3A_213 : memref<1x128x64xf32, #tpu.memory_space<vmem>> -> memref<128x64xf32, #tpu.memory_space<vmem>>
      tpu.enqueue_dma source(%dma_start3A_214 : memref<128x64xf32, #tpu.memory_space<vmem>>) target(%dma_start3A_210 : memref<128x64xf32, #tpu.memory_space<vmem_shared>>) target_semaphore(%run_scoped3A_202 : memref<!tpu.dma_semaphore, #tpu.memory_space<semaphore_mem>>)
      %dma_wait3A_215 = arith.constant 0 : i32
      %dma_wait3A_216 = arith.constant 0 : i32
      %dma_wait3A_217 = tpu.memref_slice %arg8[%run_scoped3A, %dma_wait3A_215, %dma_wait3A_216] : memref<3x128x64xf32, #tpu.memory_space<vmem>> -> memref<1x128x64xf32, #tpu.memory_space<vmem>>
      %dma_wait3A_218 = tpu.memref_squeeze %dma_wait3A_217 : memref<1x128x64xf32, #tpu.memory_space<vmem>> -> memref<128x64xf32, #tpu.memory_space<vmem>>
      %dma_wait3A_219 = arith.constant 0 : i32
      %dma_wait3A_220 = tpu.memref_slice %arg10[%add3A_6, %dma_wait3A_219] : memref<10240x64xf32, #tpu.memory_space<vmem_shared>> -> memref<128x64xf32, #tpu.memory_space<vmem_shared>>
      %dma_wait3A_221 = arith.constant 0 : i32
      %dma_wait3A_222 = tpu.memref_slice %arg10[%add3A_6, %dma_wait3A_221] : memref<10240x64xf32, #tpu.memory_space<vmem_shared>> -> memref<128x64xf32, #tpu.memory_space<vmem_shared>>
      %dma_wait3A_223 = arith.constant 0 : i32
      %dma_wait3A_224 = arith.constant 0 : i32
      %dma_wait3A_225 = tpu.memref_slice %arg8[%run_scoped3A, %dma_wait3A_223, %dma_wait3A_224] : memref<3x128x64xf32, #tpu.memory_space<vmem>> -> memref<1x128x64xf32, #tpu.memory_space<vmem>>
      %dma_wait3A_226 = tpu.memref_squeeze %dma_wait3A_225 : memref<1x128x64xf32, #tpu.memory_space<vmem>> -> memref<128x64xf32, #tpu.memory_space<vmem>>
      tpu.wait_dma2 semaphore(%run_scoped3A_202 : memref<!tpu.dma_semaphore, #tpu.memory_space<semaphore_mem>>) src(%dma_wait3A_226 : memref<128x64xf32, #tpu.memory_space<vmem>>) dst(%dma_wait3A_222 : memref<128x64xf32, #tpu.memory_space<vmem_shared>>)
      tpu.yield
    }) : () -> ()
    %add3A_7 = arith.constant 128 : i32
    %add3A_8 = arith.addi %mul3A_0, %add3A_7 : i32
    %run_scoped3A_9 = arith.constant 0 : i32
    "tpu.region"() ({
      %run_scoped3A_202 = tpu.sem_alloc : memref<!tpu.dma_semaphore, #tpu.memory_space<semaphore_mem>>
      %dma_start3A_203 = arith.constant 0 : i32
      %dma_start3A_204 = arith.constant 0 : i32
      %dma_start3A_205 = tpu.memref_slice %arg8[%run_scoped3A_9, %dma_start3A_203, %dma_start3A_204] : memref<3x128x64xf32, #tpu.memory_space<vmem>> -> memref<1x128x64xf32, #tpu.memory_space<vmem>>
      %dma_start3A_206 = tpu.memref_squeeze %dma_start3A_205 : memref<1x128x64xf32, #tpu.memory_space<vmem>> -> memref<128x64xf32, #tpu.memory_space<vmem>>
      %dma_start3A_207 = arith.constant 0 : i32
      %dma_start3A_208 = tpu.memref_slice %arg10[%add3A_8, %dma_start3A_207] : memref<10240x64xf32, #tpu.memory_space<vmem_shared>> -> memref<128x64xf32, #tpu.memory_space<vmem_shared>>
      %dma_start3A_209 = arith.constant 0 : i32
      %dma_start3A_210 = tpu.memref_slice %arg10[%add3A_8, %dma_start3A_209] : memref<10240x64xf32, #tpu.memory_space<vmem_shared>> -> memref<128x64xf32, #tpu.memory_space<vmem_shared>>
      %dma_start3A_211 = arith.constant 0 : i32
      %dma_start3A_212 = arith.constant 0 : i32
      %dma_start3A_213 = tpu.memref_slice %arg8[%run_scoped3A_9, %dma_start3A_211, %dma_start3A_212] : memref<3x128x64xf32, #tpu.memory_space<vmem>> -> memref<1x128x64xf32, #tpu.memory_space<vmem>>
      %dma_start3A_214 = tpu.memref_squeeze %dma_start3A_213 : memref<1x128x64xf32, #tpu.memory_space<vmem>> -> memref<128x64xf32, #tpu.memory_space<vmem>>
      tpu.enqueue_dma source(%dma_start3A_214 : memref<128x64xf32, #tpu.memory_space<vmem>>) target(%dma_start3A_210 : memref<128x64xf32, #tpu.memory_space<vmem_shared>>) target_semaphore(%run_scoped3A_202 : memref<!tpu.dma_semaphore, #tpu.memory_space<semaphore_mem>>)
      %dma_wait3A_215 = arith.constant 0 : i32
      %dma_wait3A_216 = arith.constant 0 : i32
      %dma_wait3A_217 = tpu.memref_slice %arg8[%run_scoped3A_9, %dma_wait3A_215, %dma_wait3A_216] : memref<3x128x64xf32, #tpu.memory_space<vmem>> -> memref<1x128x64xf32, #tpu.memory_space<vmem>>
      %dma_wait3A_218 = tpu.memref_squeeze %dma_wait3A_217 : memref<1x128x64xf32, #tpu.memory_space<vmem>> -> memref<128x64xf32, #tpu.memory_space<vmem>>
      %dma_wait3A_219 = arith.constant 0 : i32
      %dma_wait3A_220 = tpu.memref_slice %arg10[%add3A_8, %dma_wait3A_219] : memref<10240x64xf32, #tpu.memory_space<vmem_shared>> -> memref<128x64xf32, #tpu.memory_space<vmem_shared>>
      %dma_wait3A_221 = arith.constant 0 : i32
      %dma_wait3A_222 = tpu.memref_slice %arg10[%add3A_8, %dma_wait3A_221] : memref<10240x64xf32, #tpu.memory_space<vmem_shared>> -> memref<128x64xf32, #tpu.memory_space<vmem_shared>>
      %dma_wait3A_223 = arith.constant 0 : i32
      %dma_wait3A_224 = arith.constant 0 : i32
      %dma_wait3A_225 = tpu.memref_slice %arg8[%run_scoped3A_9, %dma_wait3A_223, %dma_wait3A_224] : memref<3x128x64xf32, #tpu.memory_space<vmem>> -> memref<1x128x64xf32, #tpu.memory_space<vmem>>
      %dma_wait3A_226 = tpu.memref_squeeze %dma_wait3A_225 : memref<1x128x64xf32, #tpu.memory_space<vmem>> -> memref<128x64xf32, #tpu.memory_space<vmem>>
      tpu.wait_dma2 semaphore(%run_scoped3A_202 : memref<!tpu.dma_semaphore, #tpu.memory_space<semaphore_mem>>) src(%dma_wait3A_226 : memref<128x64xf32, #tpu.memory_space<vmem>>) dst(%dma_wait3A_222 : memref<128x64xf32, #tpu.memory_space<vmem_shared>>)
      tpu.yield
    }) : () -> ()
    %add3A_10 = arith.constant 256 : i32
    %add3A_11 = arith.addi %mul3A_0, %add3A_10 : i32
    %run_scoped3A_12 = arith.constant 0 : i32
    "tpu.region"() ({
      %run_scoped3A_202 = tpu.sem_alloc : memref<!tpu.dma_semaphore, #tpu.memory_space<semaphore_mem>>
      %dma_start3A_203 = arith.constant 0 : i32
      %dma_start3A_204 = arith.constant 0 : i32
      %dma_start3A_205 = tpu.memref_slice %arg8[%run_scoped3A_12, %dma_start3A_203, %dma_start3A_204] : memref<3x128x64xf32, #tpu.memory_space<vmem>> -> memref<1x128x64xf32, #tpu.memory_space<vmem>>
      %dma_start3A_206 = tpu.memref_squeeze %dma_start3A_205 : memref<1x128x64xf32, #tpu.memory_space<vmem>> -> memref<128x64xf32, #tpu.memory_space<vmem>>
      %dma_start3A_207 = arith.constant 0 : i32
      %dma_start3A_208 = tpu.memref_slice %arg10[%add3A_11, %dma_start3A_207] : memref<10240x64xf32, #tpu.memory_space<vmem_shared>> -> memref<128x64xf32, #tpu.memory_space<vmem_shared>>
      %dma_start3A_209 = arith.constant 0 : i32
      %dma_start3A_210 = tpu.memref_slice %arg10[%add3A_11, %dma_start3A_209] : memref<10240x64xf32, #tpu.memory_space<vmem_shared>> -> memref<128x64xf32, #tpu.memory_space<vmem_shared>>
      %dma_start3A_211 = arith.constant 0 : i32
      %dma_start3A_212 = arith.constant 0 : i32
      %dma_start3A_213 = tpu.memref_slice %arg8[%run_scoped3A_12, %dma_start3A_211, %dma_start3A_212] : memref<3x128x64xf32, #tpu.memory_space<vmem>> -> memref<1x128x64xf32, #tpu.memory_space<vmem>>
      %dma_start3A_214 = tpu.memref_squeeze %dma_start3A_213 : memref<1x128x64xf32, #tpu.memory_space<vmem>> -> memref<128x64xf32, #tpu.memory_space<vmem>>
      tpu.enqueue_dma source(%dma_start3A_214 : memref<128x64xf32, #tpu.memory_space<vmem>>) target(%dma_start3A_210 : memref<128x64xf32, #tpu.memory_space<vmem_shared>>) target_semaphore(%run_scoped3A_202 : memref<!tpu.dma_semaphore, #tpu.memory_space<semaphore_mem>>)
      %dma_wait3A_215 = arith.constant 0 : i32
      %dma_wait3A_216 = arith.constant 0 : i32
      %dma_wait3A_217 = tpu.memref_slice %arg8[%run_scoped3A_12, %dma_wait3A_215, %dma_wait3A_216] : memref<3x128x64xf32, #tpu.memory_space<vmem>> -> memref<1x128x64xf32, #tpu.memory_space<vmem>>
      %dma_wait3A_218 = tpu.memref_squeeze %dma_wait3A_217 : memref<1x128x64xf32, #tpu.memory_space<vmem>> -> memref<128x64xf32, #tpu.memory_space<vmem>>
      %dma_wait3A_219 = arith.constant 0 : i32
      %dma_wait3A_220 = tpu.memref_slice %arg10[%add3A_11, %dma_wait3A_219] : memref<10240x64xf32, #tpu.memory_space<vmem_shared>> -> memref<128x64xf32, #tpu.memory_space<vmem_shared>>
      %dma_wait3A_221 = arith.constant 0 : i32
      %dma_wait3A_222 = tpu.memref_slice %arg10[%add3A_11, %dma_wait3A_221] : memref<10240x64xf32, #tpu.memory_space<vmem_shared>> -> memref<128x64xf32, #tpu.memory_space<vmem_shared>>
      %dma_wait3A_223 = arith.constant 0 : i32
      %dma_wait3A_224 = arith.constant 0 : i32
      %dma_wait3A_225 = tpu.memref_slice %arg8[%run_scoped3A_12, %dma_wait3A_223, %dma_wait3A_224] : memref<3x128x64xf32, #tpu.memory_space<vmem>> -> memref<1x128x64xf32, #tpu.memory_space<vmem>>
      %dma_wait3A_226 = tpu.memref_squeeze %dma_wait3A_225 : memref<1x128x64xf32, #tpu.memory_space<vmem>> -> memref<128x64xf32, #tpu.memory_space<vmem>>
      tpu.wait_dma2 semaphore(%run_scoped3A_202 : memref<!tpu.dma_semaphore, #tpu.memory_space<semaphore_mem>>) src(%dma_wait3A_226 : memref<128x64xf32, #tpu.memory_space<vmem>>) dst(%dma_wait3A_222 : memref<128x64xf32, #tpu.memory_space<vmem_shared>>)
      tpu.yield
    }) : () -> ()
    %add3A_13 = arith.constant 384 : i32
    %add3A_14 = arith.addi %mul3A_0, %add3A_13 : i32
    %run_scoped3A_15 = arith.constant 0 : i32
    "tpu.region"() ({
      %run_scoped3A_202 = tpu.sem_alloc : memref<!tpu.dma_semaphore, #tpu.memory_space<semaphore_mem>>
      %dma_start3A_203 = arith.constant 0 : i32
      %dma_start3A_204 = arith.constant 0 : i32
      %dma_start3A_205 = tpu.memref_slice %arg8[%run_scoped3A_15, %dma_start3A_203, %dma_start3A_204] : memref<3x128x64xf32, #tpu.memory_space<vmem>> -> memref<1x128x64xf32, #tpu.memory_space<vmem>>
      %dma_start3A_206 = tpu.memref_squeeze %dma_start3A_205 : memref<1x128x64xf32, #tpu.memory_space<vmem>> -> memref<128x64xf32, #tpu.memory_space<vmem>>
      %dma_start3A_207 = arith.constant 0 : i32
      %dma_start3A_208 = tpu.memref_slice %arg10[%add3A_14, %dma_start3A_207] : memref<10240x64xf32, #tpu.memory_space<vmem_shared>> -> memref<128x64xf32, #tpu.memory_space<vmem_shared>>
      %dma_start3A_209 = arith.constant 0 : i32
      %dma_start3A_210 = tpu.memref_slice %arg10[%add3A_14, %dma_start3A_209] : memref<10240x64xf32, #tpu.memory_space<vmem_shared>> -> memref<128x64xf32, #tpu.memory_space<vmem_shared>>
      %dma_start3A_211 = arith.constant 0 : i32
      %dma_start3A_212 = arith.constant 0 : i32
      %dma_start3A_213 = tpu.memref_slice %arg8[%run_scoped3A_15, %dma_start3A_211, %dma_start3A_212] : memref<3x128x64xf32, #tpu.memory_space<vmem>> -> memref<1x128x64xf32, #tpu.memory_space<vmem>>
      %dma_start3A_214 = tpu.memref_squeeze %dma_start3A_213 : memref<1x128x64xf32, #tpu.memory_space<vmem>> -> memref<128x64xf32, #tpu.memory_space<vmem>>
      tpu.enqueue_dma source(%dma_start3A_214 : memref<128x64xf32, #tpu.memory_space<vmem>>) target(%dma_start3A_210 : memref<128x64xf32, #tpu.memory_space<vmem_shared>>) target_semaphore(%run_scoped3A_202 : memref<!tpu.dma_semaphore, #tpu.memory_space<semaphore_mem>>)
      %dma_wait3A_215 = arith.constant 0 : i32
      %dma_wait3A_216 = arith.constant 0 : i32
      %dma_wait3A_217 = tpu.memref_slice %arg8[%run_scoped3A_15, %dma_wait3A_215, %dma_wait3A_216] : memref<3x128x64xf32, #tpu.memory_space<vmem>> -> memref<1x128x64xf32, #tpu.memory_space<vmem>>
      %dma_wait3A_218 = tpu.memref_squeeze %dma_wait3A_217 : memref<1x128x64xf32, #tpu.memory_space<vmem>> -> memref<128x64xf32, #tpu.memory_space<vmem>>
      %dma_wait3A_219 = arith.constant 0 : i32
      %dma_wait3A_220 = tpu.memref_slice %arg10[%add3A_14, %dma_wait3A_219] : memref<10240x64xf32, #tpu.memory_space<vmem_shared>> -> memref<128x64xf32, #tpu.memory_space<vmem_shared>>
      %dma_wait3A_221 = arith.constant 0 : i32
      %dma_wait3A_222 = tpu.memref_slice %arg10[%add3A_14, %dma_wait3A_221] : memref<10240x64xf32, #tpu.memory_space<vmem_shared>> -> memref<128x64xf32, #tpu.memory_space<vmem_shared>>
      %dma_wait3A_223 = arith.constant 0 : i32
      %dma_wait3A_224 = arith.constant 0 : i32
      %dma_wait3A_225 = tpu.memref_slice %arg8[%run_scoped3A_15, %dma_wait3A_223, %dma_wait3A_224] : memref<3x128x64xf32, #tpu.memory_space<vmem>> -> memref<1x128x64xf32, #tpu.memory_space<vmem>>
      %dma_wait3A_226 = tpu.memref_squeeze %dma_wait3A_225 : memref<1x128x64xf32, #tpu.memory_space<vmem>> -> memref<128x64xf32, #tpu.memory_space<vmem>>
      tpu.wait_dma2 semaphore(%run_scoped3A_202 : memref<!tpu.dma_semaphore, #tpu.memory_space<semaphore_mem>>) src(%dma_wait3A_226 : memref<128x64xf32, #tpu.memory_space<vmem>>) dst(%dma_wait3A_222 : memref<128x64xf32, #tpu.memory_space<vmem_shared>>)
      tpu.yield
    }) : () -> ()
    %add3A_16 = arith.constant 512 : i32
    %add3A_17 = arith.addi %mul3A_0, %add3A_16 : i32
    %run_scoped3A_18 = arith.constant 0 : i32
    "tpu.region"() ({
      %run_scoped3A_202 = tpu.sem_alloc : memref<!tpu.dma_semaphore, #tpu.memory_space<semaphore_mem>>
      %dma_start3A_203 = arith.constant 0 : i32
      %dma_start3A_204 = arith.constant 0 : i32
      %dma_start3A_205 = tpu.memref_slice %arg8[%run_scoped3A_18, %dma_start3A_203, %dma_start3A_204] : memref<3x128x64xf32, #tpu.memory_space<vmem>> -> memref<1x128x64xf32, #tpu.memory_space<vmem>>
      %dma_start3A_206 = tpu.memref_squeeze %dma_start3A_205 : memref<1x128x64xf32, #tpu.memory_space<vmem>> -> memref<128x64xf32, #tpu.memory_space<vmem>>
      %dma_start3A_207 = arith.constant 0 : i32
      %dma_start3A_208 = tpu.memref_slice %arg10[%add3A_17, %dma_start3A_207] : memref<10240x64xf32, #tpu.memory_space<vmem_shared>> -> memref<128x64xf32, #tpu.memory_space<vmem_shared>>
      %dma_start3A_209 = arith.constant 0 : i32
      %dma_start3A_210 = tpu.memref_slice %arg10[%add3A_17, %dma_start3A_209] : memref<10240x64xf32, #tpu.memory_space<vmem_shared>> -> memref<128x64xf32, #tpu.memory_space<vmem_shared>>
      %dma_start3A_211 = arith.constant 0 : i32
      %dma_start3A_212 = arith.constant 0 : i32
      %dma_start3A_213 = tpu.memref_slice %arg8[%run_scoped3A_18, %dma_start3A_211, %dma_start3A_212] : memref<3x128x64xf32, #tpu.memory_space<vmem>> -> memref<1x128x64xf32, #tpu.memory_space<vmem>>
      %dma_start3A_214 = tpu.memref_squeeze %dma_start3A_213 : memref<1x128x64xf32, #tpu.memory_space<vmem>> -> memref<128x64xf32, #tpu.memory_space<vmem>>
      tpu.enqueue_dma source(%dma_start3A_214 : memref<128x64xf32, #tpu.memory_space<vmem>>) target(%dma_start3A_210 : memref<128x64xf32, #tpu.memory_space<vmem_shared>>) target_semaphore(%run_scoped3A_202 : memref<!tpu.dma_semaphore, #tpu.memory_space<semaphore_mem>>)
      %dma_wait3A_215 = arith.constant 0 : i32
      %dma_wait3A_216 = arith.constant 0 : i32
      %dma_wait3A_217 = tpu.memref_slice %arg8[%run_scoped3A_18, %dma_wait3A_215, %dma_wait3A_216] : memref<3x128x64xf32, #tpu.memory_space<vmem>> -> memref<1x128x64xf32, #tpu.memory_space<vmem>>
      %dma_wait3A_218 = tpu.memref_squeeze %dma_wait3A_217 : memref<1x128x64xf32, #tpu.memory_space<vmem>> -> memref<128x64xf32, #tpu.memory_space<vmem>>
      %dma_wait3A_219 = arith.constant 0 : i32
      %dma_wait3A_220 = tpu.memref_slice %arg10[%add3A_17, %dma_wait3A_219] : memref<10240x64xf32, #tpu.memory_space<vmem_shared>> -> memref<128x64xf32, #tpu.memory_space<vmem_shared>>
      %dma_wait3A_221 = arith.constant 0 : i32
      %dma_wait3A_222 = tpu.memref_slice %arg10[%add3A_17, %dma_wait3A_221] : memref<10240x64xf32, #tpu.memory_space<vmem_shared>> -> memref<128x64xf32, #tpu.memory_space<vmem_shared>>
      %dma_wait3A_223 = arith.constant 0 : i32
      %dma_wait3A_224 = arith.constant 0 : i32
      %dma_wait3A_225 = tpu.memref_slice %arg8[%run_scoped3A_18, %dma_wait3A_223, %dma_wait3A_224] : memref<3x128x64xf32, #tpu.memory_space<vmem>> -> memref<1x128x64xf32, #tpu.memory_space<vmem>>
      %dma_wait3A_226 = tpu.memref_squeeze %dma_wait3A_225 : memref<1x128x64xf32, #tpu.memory_space<vmem>> -> memref<128x64xf32, #tpu.memory_space<vmem>>
      tpu.wait_dma2 semaphore(%run_scoped3A_202 : memref<!tpu.dma_semaphore, #tpu.memory_space<semaphore_mem>>) src(%dma_wait3A_226 : memref<128x64xf32, #tpu.memory_space<vmem>>) dst(%dma_wait3A_222 : memref<128x64xf32, #tpu.memory_space<vmem_shared>>)
      tpu.yield
    }) : () -> ()
    %barrier3A = arith.constant 0 : index
    tpu.barrier barrier_id(%barrier3A)
    "tpu.region"() ({
      %run_scoped3A_202 = tpu.sem_alloc : memref<!tpu.dma_semaphore, #tpu.memory_space<semaphore_mem>>
      %dma_start3A_203 = arith.constant 0 : i32
      %dma_start3A_204 = arith.constant 0 : i32
      %dma_start3A_205 = tpu.memref_slice %arg2[%arg1, %dma_start3A_203, %dma_start3A_204] : memref<16x80x128xi32, #tpu.memory_space<hbm>> -> memref<1x80x128xi32, #tpu.memory_space<hbm>>
      %dma_start3A_206 = tpu.memref_squeeze %dma_start3A_205 : memref<1x80x128xi32, #tpu.memory_space<hbm>> -> memref<80x128xi32, #tpu.memory_space<hbm>>
      %dma_start3A_207 = arith.constant 0 : i32
      %dma_start3A_208 = arith.constant 0 : i32
      %dma_start3A_209 = tpu.memref_slice %arg2[%arg1, %dma_start3A_207, %dma_start3A_208] : memref<16x80x128xi32, #tpu.memory_space<hbm>> -> memref<1x80x128xi32, #tpu.memory_space<hbm>>
      %dma_start3A_210 = tpu.memref_squeeze %dma_start3A_209 : memref<1x80x128xi32, #tpu.memory_space<hbm>> -> memref<80x128xi32, #tpu.memory_space<hbm>>
      tpu.enqueue_dma source(%dma_start3A_210 : memref<80x128xi32, #tpu.memory_space<hbm>>) target(%arg6 : memref<80x128xi32, #tpu.memory_space<vmem>>) target_semaphore(%run_scoped3A_202 : memref<!tpu.dma_semaphore, #tpu.memory_space<semaphore_mem>>)
      %dma_wait3A_211 = arith.constant 0 : i32
      %dma_wait3A_212 = arith.constant 0 : i32
      %dma_wait3A_213 = tpu.memref_slice %arg2[%arg1, %dma_wait3A_211, %dma_wait3A_212] : memref<16x80x128xi32, #tpu.memory_space<hbm>> -> memref<1x80x128xi32, #tpu.memory_space<hbm>>
      %dma_wait3A_214 = tpu.memref_squeeze %dma_wait3A_213 : memref<1x80x128xi32, #tpu.memory_space<hbm>> -> memref<80x128xi32, #tpu.memory_space<hbm>>
      %dma_wait3A_215 = arith.constant 0 : i32
      %dma_wait3A_216 = arith.constant 0 : i32
      %dma_wait3A_217 = tpu.memref_slice %arg2[%arg1, %dma_wait3A_215, %dma_wait3A_216] : memref<16x80x128xi32, #tpu.memory_space<hbm>> -> memref<1x80x128xi32, #tpu.memory_space<hbm>>
      %dma_wait3A_218 = tpu.memref_squeeze %dma_wait3A_217 : memref<1x80x128xi32, #tpu.memory_space<hbm>> -> memref<80x128xi32, #tpu.memory_space<hbm>>
      tpu.wait_dma2 semaphore(%run_scoped3A_202 : memref<!tpu.dma_semaphore, #tpu.memory_space<semaphore_mem>>) src(%dma_wait3A_218 : memref<80x128xi32, #tpu.memory_space<hbm>>) dst(%arg6 : memref<80x128xi32, #tpu.memory_space<vmem>>)
      tpu.yield
    }) : () -> ()
    "tpu.region"() ({
      %run_scoped3A_202 = tpu.sem_alloc : memref<!tpu.dma_semaphore, #tpu.memory_space<semaphore_mem>>
      %dma_start3A_203 = arith.constant 0 : i32
      %dma_start3A_204 = arith.constant 0 : i32
      %dma_start3A_205 = tpu.memref_slice %arg3[%arg1, %dma_start3A_203, %dma_start3A_204] : memref<16x80x128xi32, #tpu.memory_space<hbm>> -> memref<1x80x128xi32, #tpu.memory_space<hbm>>
      %dma_start3A_206 = tpu.memref_squeeze %dma_start3A_205 : memref<1x80x128xi32, #tpu.memory_space<hbm>> -> memref<80x128xi32, #tpu.memory_space<hbm>>
      %dma_start3A_207 = arith.constant 0 : i32
      %dma_start3A_208 = arith.constant 0 : i32
      %dma_start3A_209 = tpu.memref_slice %arg3[%arg1, %dma_start3A_207, %dma_start3A_208] : memref<16x80x128xi32, #tpu.memory_space<hbm>> -> memref<1x80x128xi32, #tpu.memory_space<hbm>>
      %dma_start3A_210 = tpu.memref_squeeze %dma_start3A_209 : memref<1x80x128xi32, #tpu.memory_space<hbm>> -> memref<80x128xi32, #tpu.memory_space<hbm>>
      tpu.enqueue_dma source(%dma_start3A_210 : memref<80x128xi32, #tpu.memory_space<hbm>>) target(%arg7 : memref<80x128xi32, #tpu.memory_space<vmem>>) target_semaphore(%run_scoped3A_202 : memref<!tpu.dma_semaphore, #tpu.memory_space<semaphore_mem>>)
      %dma_wait3A_211 = arith.constant 0 : i32
      %dma_wait3A_212 = arith.constant 0 : i32
      %dma_wait3A_213 = tpu.memref_slice %arg3[%arg1, %dma_wait3A_211, %dma_wait3A_212] : memref<16x80x128xi32, #tpu.memory_space<hbm>> -> memref<1x80x128xi32, #tpu.memory_space<hbm>>
      %dma_wait3A_214 = tpu.memref_squeeze %dma_wait3A_213 : memref<1x80x128xi32, #tpu.memory_space<hbm>> -> memref<80x128xi32, #tpu.memory_space<hbm>>
      %dma_wait3A_215 = arith.constant 0 : i32
      %dma_wait3A_216 = arith.constant 0 : i32
      %dma_wait3A_217 = tpu.memref_slice %arg3[%arg1, %dma_wait3A_215, %dma_wait3A_216] : memref<16x80x128xi32, #tpu.memory_space<hbm>> -> memref<1x80x128xi32, #tpu.memory_space<hbm>>
      %dma_wait3A_218 = tpu.memref_squeeze %dma_wait3A_217 : memref<1x80x128xi32, #tpu.memory_space<hbm>> -> memref<80x128xi32, #tpu.memory_space<hbm>>
      tpu.wait_dma2 semaphore(%run_scoped3A_202 : memref<!tpu.dma_semaphore, #tpu.memory_space<semaphore_mem>>) src(%dma_wait3A_218 : memref<80x128xi32, #tpu.memory_space<hbm>>) dst(%arg7 : memref<80x128xi32, #tpu.memory_space<vmem>>)
      tpu.yield
    }) : () -> ()
    %dma_start3A = arith.constant 0 : i32
    %dma_start3A_19 = arith.constant 0 : i32
    %dma_start3A_20 = arith.constant 0 : i32
    %dma_start3A_21 = arith.constant 0 : i32
    %dma_start3A_22 = arith.constant 0 : i32
    %dma_start3A_23 = tpu.memref_slice %arg8[%dma_start3A_19, %dma_start3A_21, %dma_start3A_22] : memref<3x128x64xf32, #tpu.memory_space<vmem>> -> memref<1x128x64xf32, #tpu.memory_space<vmem>>
    %dma_start3A_24 = tpu.memref_squeeze %dma_start3A_23 : memref<1x128x64xf32, #tpu.memory_space<vmem>> -> memref<128x64xf32, #tpu.memory_space<vmem>>
    %dma_start3A_25 = arith.constant 0 : i32
    %dma_start3A_26 = tpu.memref_slice %arg6[%dma_start3A, %dma_start3A_25] : memref<80x128xi32, #tpu.memory_space<vmem>> -> memref<1x128xi32, #tpu.memory_space<vmem>>
    %dma_start3A_27 = tpu.memref_squeeze %dma_start3A_26 : memref<1x128xi32, #tpu.memory_space<vmem>> -> memref<128xi32, #tpu.memory_space<vmem>>
    %dma_start3A_28 = arith.constant 0 : i32
    %dma_start3A_29 = arith.constant 0 : i32
    %dma_start3A_30 = tpu.memref_slice %arg9[%dma_start3A_28, %dma_start3A_29] : memref<10240x64xf32, #tpu.memory_space<vmem_shared>> -> memref<10240x64xf32, #tpu.memory_space<vmem_shared>>
    %dma_start3A_31 = tpu.memref_slice %arg11[%dma_start3A_20] : memref<3x!tpu.dma_semaphore, #tpu.memory_space<semaphore_mem>> -> memref<1x!tpu.dma_semaphore, #tpu.memory_space<semaphore_mem>>
    %dma_start3A_32 = tpu.memref_squeeze %dma_start3A_31 : memref<1x!tpu.dma_semaphore, #tpu.memory_space<semaphore_mem>> -> memref<!tpu.dma_semaphore, #tpu.memory_space<semaphore_mem>>
    tpu.enqueue_indirect_dma source(%dma_start3A_30 : memref<10240x64xf32, #tpu.memory_space<vmem_shared>>) target(%dma_start3A_24 : memref<128x64xf32, #tpu.memory_space<vmem>>) offsets(%dma_start3A_27 : memref<128xi32, #tpu.memory_space<vmem>>) semaphore(%dma_start3A_32 : memref<!tpu.dma_semaphore, #tpu.memory_space<semaphore_mem>>)
    %dma_start3A_33 = arith.constant 1 : i32
    %dma_start3A_34 = arith.constant 1 : i32
    %dma_start3A_35 = arith.constant 1 : i32
    %dma_start3A_36 = arith.constant 0 : i32
    %dma_start3A_37 = arith.constant 0 : i32
    %dma_start3A_38 = tpu.memref_slice %arg8[%dma_start3A_34, %dma_start3A_36, %dma_start3A_37] : memref<3x128x64xf32, #tpu.memory_space<vmem>> -> memref<1x128x64xf32, #tpu.memory_space<vmem>>
    %dma_start3A_39 = tpu.memref_squeeze %dma_start3A_38 : memref<1x128x64xf32, #tpu.memory_space<vmem>> -> memref<128x64xf32, #tpu.memory_space<vmem>>
    %dma_start3A_40 = arith.constant 0 : i32
    %dma_start3A_41 = tpu.memref_slice %arg6[%dma_start3A_33, %dma_start3A_40] : memref<80x128xi32, #tpu.memory_space<vmem>> -> memref<1x128xi32, #tpu.memory_space<vmem>>
    %dma_start3A_42 = tpu.memref_squeeze %dma_start3A_41 : memref<1x128xi32, #tpu.memory_space<vmem>> -> memref<128xi32, #tpu.memory_space<vmem>>
    %dma_start3A_43 = arith.constant 0 : i32
    %dma_start3A_44 = arith.constant 0 : i32
    %dma_start3A_45 = tpu.memref_slice %arg9[%dma_start3A_43, %dma_start3A_44] : memref<10240x64xf32, #tpu.memory_space<vmem_shared>> -> memref<10240x64xf32, #tpu.memory_space<vmem_shared>>
    %dma_start3A_46 = tpu.memref_slice %arg11[%dma_start3A_35] : memref<3x!tpu.dma_semaphore, #tpu.memory_space<semaphore_mem>> -> memref<1x!tpu.dma_semaphore, #tpu.memory_space<semaphore_mem>>
    %dma_start3A_47 = tpu.memref_squeeze %dma_start3A_46 : memref<1x!tpu.dma_semaphore, #tpu.memory_space<semaphore_mem>> -> memref<!tpu.dma_semaphore, #tpu.memory_space<semaphore_mem>>
    tpu.enqueue_indirect_dma source(%dma_start3A_45 : memref<10240x64xf32, #tpu.memory_space<vmem_shared>>) target(%dma_start3A_39 : memref<128x64xf32, #tpu.memory_space<vmem>>) offsets(%dma_start3A_42 : memref<128xi32, #tpu.memory_space<vmem>>) semaphore(%dma_start3A_47 : memref<!tpu.dma_semaphore, #tpu.memory_space<semaphore_mem>>)
    %scan3A_48 = arith.constant 0 : i32
    %scan3A_49 = arith.constant 80 : i32
    %scan3A_50 = arith.addi %scan3A_48, %scan3A_49 : i32
    %scan3A_51 = arith.constant 1 : i32
    scf.for %scan3A_202 = %scan3A_48 to %scan3A_50 step %scan3A_51  : i32 {
      %rem3A = arith.constant 3 : i32
      %rem3A_203 = arith.remsi %scan3A_202, %rem3A : i32
      %add3A_204 = arith.constant 3 : i32
      %add3A_205 = arith.addi %scan3A_202, %add3A_204 : i32
      %sub3A = arith.constant 1 : i32
      %sub3A_206 = arith.subi %add3A_205, %sub3A : i32
      %rem3A_207 = arith.constant 3 : i32
      %rem3A_208 = arith.remsi %sub3A_206, %rem3A_207 : i32
      %lt3A = arith.constant 80 : i32
      %lt3A_209 = arith.cmpi slt, %sub3A_206, %lt3A : i32
      %ge3A = arith.constant 1 : i32
      %ge3A_210 = arith.cmpi sge, %scan3A_202, %ge3A : i32
      %and3A = arith.andi %lt3A_209, %ge3A_210 : i1
      %convert_element_type3A = arith.extui %and3A : i1 to i32
      %cond3A = arith.constant 0 : i32
      %cond3A_211 = arith.cmpi ne, %convert_element_type3A, %cond3A : i32
      scf.if %cond3A_211 {
        %sub3A_241 = arith.constant 1 : i32
        %sub3A_242 = arith.subi %scan3A_202, %sub3A_241 : i32
        %dma_wait3A_243 = arith.constant 0 : i32
        %dma_wait3A_244 = arith.constant 0 : i32
        %dma_wait3A_245 = tpu.memref_slice %arg8[%rem3A_208, %dma_wait3A_243, %dma_wait3A_244] : memref<3x128x64xf32, #tpu.memory_space<vmem>> -> memref<1x128x64xf32, #tpu.memory_space<vmem>>
        %dma_wait3A_246 = tpu.memref_squeeze %dma_wait3A_245 : memref<1x128x64xf32, #tpu.memory_space<vmem>> -> memref<128x64xf32, #tpu.memory_space<vmem>>
        %dma_wait3A_247 = arith.constant 0 : i32
        %dma_wait3A_248 = tpu.memref_slice %arg7[%sub3A_242, %dma_wait3A_247] : memref<80x128xi32, #tpu.memory_space<vmem>> -> memref<1x128xi32, #tpu.memory_space<vmem>>
        %dma_wait3A_249 = tpu.memref_squeeze %dma_wait3A_248 : memref<1x128xi32, #tpu.memory_space<vmem>> -> memref<128xi32, #tpu.memory_space<vmem>>
        %dma_wait3A_250 = arith.constant 0 : i32
        %dma_wait3A_251 = arith.constant 0 : i32
        %dma_wait3A_252 = tpu.memref_slice %arg10[%dma_wait3A_250, %dma_wait3A_251] : memref<10240x64xf32, #tpu.memory_space<vmem_shared>> -> memref<10240x64xf32, #tpu.memory_space<vmem_shared>>
        %dma_wait3A_253 = tpu.memref_slice %arg12[%rem3A_208] : memref<3x!tpu.dma_semaphore, #tpu.memory_space<semaphore_mem>> -> memref<1x!tpu.dma_semaphore, #tpu.memory_space<semaphore_mem>>
        %dma_wait3A_254 = tpu.memref_squeeze %dma_wait3A_253 : memref<1x!tpu.dma_semaphore, #tpu.memory_space<semaphore_mem>> -> memref<!tpu.dma_semaphore, #tpu.memory_space<semaphore_mem>>
        tpu.wait_indirect_dma semaphore(%dma_wait3A_254 : memref<!tpu.dma_semaphore, #tpu.memory_space<semaphore_mem>>) src(%dma_wait3A_246 : memref<128x64xf32, #tpu.memory_space<vmem>>) dst(%dma_wait3A_252 : memref<10240x64xf32, #tpu.memory_space<vmem_shared>>)
      } else {
      }
      %lt3A_212 = arith.constant 80 : i32
      %lt3A_213 = arith.cmpi slt, %sub3A_206, %lt3A_212 : i32
      %convert_element_type3A_214 = arith.extui %lt3A_213 : i1 to i32
      %cond3A_215 = arith.constant 0 : i32
      %cond3A_216 = arith.cmpi ne, %convert_element_type3A_214, %cond3A_215 : i32
      scf.if %cond3A_216 {
        %dma_start3A_241 = arith.constant 0 : i32
        %dma_start3A_242 = arith.constant 0 : i32
        %dma_start3A_243 = tpu.memref_slice %arg8[%rem3A_208, %dma_start3A_241, %dma_start3A_242] : memref<3x128x64xf32, #tpu.memory_space<vmem>> -> memref<1x128x64xf32, #tpu.memory_space<vmem>>
        %dma_start3A_244 = tpu.memref_squeeze %dma_start3A_243 : memref<1x128x64xf32, #tpu.memory_space<vmem>> -> memref<128x64xf32, #tpu.memory_space<vmem>>
        %dma_start3A_245 = arith.constant 0 : i32
        %dma_start3A_246 = tpu.memref_slice %arg6[%sub3A_206, %dma_start3A_245] : memref<80x128xi32, #tpu.memory_space<vmem>> -> memref<1x128xi32, #tpu.memory_space<vmem>>
        %dma_start3A_247 = tpu.memref_squeeze %dma_start3A_246 : memref<1x128xi32, #tpu.memory_space<vmem>> -> memref<128xi32, #tpu.memory_space<vmem>>
        %dma_start3A_248 = arith.constant 0 : i32
        %dma_start3A_249 = arith.constant 0 : i32
        %dma_start3A_250 = tpu.memref_slice %arg9[%dma_start3A_248, %dma_start3A_249] : memref<10240x64xf32, #tpu.memory_space<vmem_shared>> -> memref<10240x64xf32, #tpu.memory_space<vmem_shared>>
        %dma_start3A_251 = tpu.memref_slice %arg11[%rem3A_208] : memref<3x!tpu.dma_semaphore, #tpu.memory_space<semaphore_mem>> -> memref<1x!tpu.dma_semaphore, #tpu.memory_space<semaphore_mem>>
        %dma_start3A_252 = tpu.memref_squeeze %dma_start3A_251 : memref<1x!tpu.dma_semaphore, #tpu.memory_space<semaphore_mem>> -> memref<!tpu.dma_semaphore, #tpu.memory_space<semaphore_mem>>
        tpu.enqueue_indirect_dma source(%dma_start3A_250 : memref<10240x64xf32, #tpu.memory_space<vmem_shared>>) target(%dma_start3A_244 : memref<128x64xf32, #tpu.memory_space<vmem>>) offsets(%dma_start3A_247 : memref<128xi32, #tpu.memory_space<vmem>>) semaphore(%dma_start3A_252 : memref<!tpu.dma_semaphore, #tpu.memory_space<semaphore_mem>>)
      } else {
      }
      %dma_wait3A_217 = arith.constant 0 : i32
      %dma_wait3A_218 = arith.constant 0 : i32
      %dma_wait3A_219 = tpu.memref_slice %arg8[%rem3A_203, %dma_wait3A_217, %dma_wait3A_218] : memref<3x128x64xf32, #tpu.memory_space<vmem>> -> memref<1x128x64xf32, #tpu.memory_space<vmem>>
      %dma_wait3A_220 = tpu.memref_squeeze %dma_wait3A_219 : memref<1x128x64xf32, #tpu.memory_space<vmem>> -> memref<128x64xf32, #tpu.memory_space<vmem>>
      %dma_wait3A_221 = arith.constant 0 : i32
      %dma_wait3A_222 = tpu.memref_slice %arg6[%scan3A_202, %dma_wait3A_221] : memref<80x128xi32, #tpu.memory_space<vmem>> -> memref<1x128xi32, #tpu.memory_space<vmem>>
      %dma_wait3A_223 = tpu.memref_squeeze %dma_wait3A_222 : memref<1x128xi32, #tpu.memory_space<vmem>> -> memref<128xi32, #tpu.memory_space<vmem>>
      %dma_wait3A_224 = arith.constant 0 : i32
      %dma_wait3A_225 = arith.constant 0 : i32
      %dma_wait3A_226 = tpu.memref_slice %arg9[%dma_wait3A_224, %dma_wait3A_225] : memref<10240x64xf32, #tpu.memory_space<vmem_shared>> -> memref<10240x64xf32, #tpu.memory_space<vmem_shared>>
      %dma_wait3A_227 = tpu.memref_slice %arg11[%rem3A_203] : memref<3x!tpu.dma_semaphore, #tpu.memory_space<semaphore_mem>> -> memref<1x!tpu.dma_semaphore, #tpu.memory_space<semaphore_mem>>
      %dma_wait3A_228 = tpu.memref_squeeze %dma_wait3A_227 : memref<1x!tpu.dma_semaphore, #tpu.memory_space<semaphore_mem>> -> memref<!tpu.dma_semaphore, #tpu.memory_space<semaphore_mem>>
      tpu.wait_indirect_dma semaphore(%dma_wait3A_228 : memref<!tpu.dma_semaphore, #tpu.memory_space<semaphore_mem>>) src(%dma_wait3A_226 : memref<10240x64xf32, #tpu.memory_space<vmem_shared>>) dst(%dma_wait3A_220 : memref<128x64xf32, #tpu.memory_space<vmem>>)
      %dma_start3A_229 = arith.constant 0 : i32
      %dma_start3A_230 = arith.constant 0 : i32
      %dma_start3A_231 = tpu.memref_slice %arg8[%rem3A_203, %dma_start3A_229, %dma_start3A_230] : memref<3x128x64xf32, #tpu.memory_space<vmem>> -> memref<1x128x64xf32, #tpu.memory_space<vmem>>
      %dma_start3A_232 = tpu.memref_squeeze %dma_start3A_231 : memref<1x128x64xf32, #tpu.memory_space<vmem>> -> memref<128x64xf32, #tpu.memory_space<vmem>>
      %dma_start3A_233 = arith.constant 0 : i32
      %dma_start3A_234 = tpu.memref_slice %arg7[%scan3A_202, %dma_start3A_233] : memref<80x128xi32, #tpu.memory_space<vmem>> -> memref<1x128xi32, #tpu.memory_space<vmem>>
      %dma_start3A_235 = tpu.memref_squeeze %dma_start3A_234 : memref<1x128xi32, #tpu.memory_space<vmem>> -> memref<128xi32, #tpu.memory_space<vmem>>
      %dma_start3A_236 = arith.constant 0 : i32
      %dma_start3A_237 = arith.constant 0 : i32
      %dma_start3A_238 = tpu.memref_slice %arg10[%dma_start3A_236, %dma_start3A_237] : memref<10240x64xf32, #tpu.memory_space<vmem_shared>> -> memref<10240x64xf32, #tpu.memory_space<vmem_shared>>
      %dma_start3A_239 = tpu.memref_slice %arg12[%rem3A_203] : memref<3x!tpu.dma_semaphore, #tpu.memory_space<semaphore_mem>> -> memref<1x!tpu.dma_semaphore, #tpu.memory_space<semaphore_mem>>
      %dma_start3A_240 = tpu.memref_squeeze %dma_start3A_239 : memref<1x!tpu.dma_semaphore, #tpu.memory_space<semaphore_mem>> -> memref<!tpu.dma_semaphore, #tpu.memory_space<semaphore_mem>>
      tpu.enqueue_indirect_dma source(%dma_start3A_232 : memref<128x64xf32, #tpu.memory_space<vmem>>) target(%dma_start3A_238 : memref<10240x64xf32, #tpu.memory_space<vmem_shared>>) offsets(%dma_start3A_235 : memref<128xi32, #tpu.memory_space<vmem>>) semaphore(%dma_start3A_240 : memref<!tpu.dma_semaphore, #tpu.memory_space<semaphore_mem>>) {add = true}
    }
    %scan3A_52 = arith.constant 80 : i32
    %dma_wait3A = arith.constant 2 : i32
    %dma_wait3A_53 = arith.constant 77 : i32
    %dma_wait3A_54 = arith.constant 2 : i32
    %dma_wait3A_55 = arith.constant 0 : i32
    %dma_wait3A_56 = arith.constant 0 : i32
    %dma_wait3A_57 = tpu.memref_slice %arg8[%dma_wait3A, %dma_wait3A_55, %dma_wait3A_56] : memref<3x128x64xf32, #tpu.memory_space<vmem>> -> memref<1x128x64xf32, #tpu.memory_space<vmem>>
    %dma_wait3A_58 = tpu.memref_squeeze %dma_wait3A_57 : memref<1x128x64xf32, #tpu.memory_space<vmem>> -> memref<128x64xf32, #tpu.memory_space<vmem>>
    %dma_wait3A_59 = arith.constant 0 : i32
    %dma_wait3A_60 = tpu.memref_slice %arg7[%dma_wait3A_53, %dma_wait3A_59] : memref<80x128xi32, #tpu.memory_space<vmem>> -> memref<1x128xi32, #tpu.memory_space<vmem>>
    %dma_wait3A_61 = tpu.memref_squeeze %dma_wait3A_60 : memref<1x128xi32, #tpu.memory_space<vmem>> -> memref<128xi32, #tpu.memory_space<vmem>>
    %dma_wait3A_62 = arith.constant 0 : i32
    %dma_wait3A_63 = arith.constant 0 : i32
    %dma_wait3A_64 = tpu.memref_slice %arg10[%dma_wait3A_62, %dma_wait3A_63] : memref<10240x64xf32, #tpu.memory_space<vmem_shared>> -> memref<10240x64xf32, #tpu.memory_space<vmem_shared>>
    %dma_wait3A_65 = tpu.memref_slice %arg12[%dma_wait3A_54] : memref<3x!tpu.dma_semaphore, #tpu.memory_space<semaphore_mem>> -> memref<1x!tpu.dma_semaphore, #tpu.memory_space<semaphore_mem>>
    %dma_wait3A_66 = tpu.memref_squeeze %dma_wait3A_65 : memref<1x!tpu.dma_semaphore, #tpu.memory_space<semaphore_mem>> -> memref<!tpu.dma_semaphore, #tpu.memory_space<semaphore_mem>>
    tpu.wait_indirect_dma semaphore(%dma_wait3A_66 : memref<!tpu.dma_semaphore, #tpu.memory_space<semaphore_mem>>) src(%dma_wait3A_58 : memref<128x64xf32, #tpu.memory_space<vmem>>) dst(%dma_wait3A_64 : memref<10240x64xf32, #tpu.memory_space<vmem_shared>>)
    %dma_wait3A_67 = arith.constant 0 : i32
    %dma_wait3A_68 = arith.constant 78 : i32
    %dma_wait3A_69 = arith.constant 0 : i32
    %dma_wait3A_70 = arith.constant 0 : i32
    %dma_wait3A_71 = arith.constant 0 : i32
    %dma_wait3A_72 = tpu.memref_slice %arg8[%dma_wait3A_67, %dma_wait3A_70, %dma_wait3A_71] : memref<3x128x64xf32, #tpu.memory_space<vmem>> -> memref<1x128x64xf32, #tpu.memory_space<vmem>>
    %dma_wait3A_73 = tpu.memref_squeeze %dma_wait3A_72 : memref<1x128x64xf32, #tpu.memory_space<vmem>> -> memref<128x64xf32, #tpu.memory_space<vmem>>
    %dma_wait3A_74 = arith.constant 0 : i32
    %dma_wait3A_75 = tpu.memref_slice %arg7[%dma_wait3A_68, %dma_wait3A_74] : memref<80x128xi32, #tpu.memory_space<vmem>> -> memref<1x128xi32, #tpu.memory_space<vmem>>
    %dma_wait3A_76 = tpu.memref_squeeze %dma_wait3A_75 : memref<1x128xi32, #tpu.memory_space<vmem>> -> memref<128xi32, #tpu.memory_space<vmem>>
    %dma_wait3A_77 = arith.constant 0 : i32
    %dma_wait3A_78 = arith.constant 0 : i32
    %dma_wait3A_79 = tpu.memref_slice %arg10[%dma_wait3A_77, %dma_wait3A_78] : memref<10240x64xf32, #tpu.memory_space<vmem_shared>> -> memref<10240x64xf32, #tpu.memory_space<vmem_shared>>
    %dma_wait3A_80 = tpu.memref_slice %arg12[%dma_wait3A_69] : memref<3x!tpu.dma_semaphore, #tpu.memory_space<semaphore_mem>> -> memref<1x!tpu.dma_semaphore, #tpu.memory_space<semaphore_mem>>
    %dma_wait3A_81 = tpu.memref_squeeze %dma_wait3A_80 : memref<1x!tpu.dma_semaphore, #tpu.memory_space<semaphore_mem>> -> memref<!tpu.dma_semaphore, #tpu.memory_space<semaphore_mem>>
    tpu.wait_indirect_dma semaphore(%dma_wait3A_81 : memref<!tpu.dma_semaphore, #tpu.memory_space<semaphore_mem>>) src(%dma_wait3A_73 : memref<128x64xf32, #tpu.memory_space<vmem>>) dst(%dma_wait3A_79 : memref<10240x64xf32, #tpu.memory_space<vmem_shared>>)
    %dma_wait3A_82 = arith.constant 1 : i32
    %dma_wait3A_83 = arith.constant 79 : i32
    %dma_wait3A_84 = arith.constant 1 : i32
    %dma_wait3A_85 = arith.constant 0 : i32
    %dma_wait3A_86 = arith.constant 0 : i32
    %dma_wait3A_87 = tpu.memref_slice %arg8[%dma_wait3A_82, %dma_wait3A_85, %dma_wait3A_86] : memref<3x128x64xf32, #tpu.memory_space<vmem>> -> memref<1x128x64xf32, #tpu.memory_space<vmem>>
    %dma_wait3A_88 = tpu.memref_squeeze %dma_wait3A_87 : memref<1x128x64xf32, #tpu.memory_space<vmem>> -> memref<128x64xf32, #tpu.memory_space<vmem>>
    %dma_wait3A_89 = arith.constant 0 : i32
    %dma_wait3A_90 = tpu.memref_slice %arg7[%dma_wait3A_83, %dma_wait3A_89] : memref<80x128xi32, #tpu.memory_space<vmem>> -> memref<1x128xi32, #tpu.memory_space<vmem>>
    %dma_wait3A_91 = tpu.memref_squeeze %dma_wait3A_90 : memref<1x128xi32, #tpu.memory_space<vmem>> -> memref<128xi32, #tpu.memory_space<vmem>>
    %dma_wait3A_92 = arith.constant 0 : i32
    %dma_wait3A_93 = arith.constant 0 : i32
    %dma_wait3A_94 = tpu.memref_slice %arg10[%dma_wait3A_92, %dma_wait3A_93] : memref<10240x64xf32, #tpu.memory_space<vmem_shared>> -> memref<10240x64xf32, #tpu.memory_space<vmem_shared>>
    %dma_wait3A_95 = tpu.memref_slice %arg12[%dma_wait3A_84] : memref<3x!tpu.dma_semaphore, #tpu.memory_space<semaphore_mem>> -> memref<1x!tpu.dma_semaphore, #tpu.memory_space<semaphore_mem>>
    %dma_wait3A_96 = tpu.memref_squeeze %dma_wait3A_95 : memref<1x!tpu.dma_semaphore, #tpu.memory_space<semaphore_mem>> -> memref<!tpu.dma_semaphore, #tpu.memory_space<semaphore_mem>>
    tpu.wait_indirect_dma semaphore(%dma_wait3A_96 : memref<!tpu.dma_semaphore, #tpu.memory_space<semaphore_mem>>) src(%dma_wait3A_88 : memref<128x64xf32, #tpu.memory_space<vmem>>) dst(%dma_wait3A_94 : memref<10240x64xf32, #tpu.memory_space<vmem_shared>>)
    %barrier3A_97 = arith.constant 0 : index
    tpu.barrier barrier_id(%barrier3A_97)
    "tpu.region"() ({
      %run_scoped3A_202 = tpu.sem_alloc : memref<!tpu.dma_semaphore, #tpu.memory_space<semaphore_mem>>
      %dma_start3A_203 = arith.constant 0 : i32
      %dma_start3A_204 = tpu.memref_slice %arg5[%arg0, %mul3A_0, %dma_start3A_203] : memref<2x10240x128xf32, #tpu.memory_space<hbm>> -> memref<1x640x64xf32, #tpu.memory_space<hbm>>
      %dma_start3A_205 = tpu.memref_squeeze %dma_start3A_204 : memref<1x640x64xf32, #tpu.memory_space<hbm>> -> memref<640x64xf32, #tpu.memory_space<hbm>>
      %dma_start3A_206 = arith.constant 0 : i32
      %dma_start3A_207 = tpu.memref_slice %arg10[%mul3A_0, %dma_start3A_206] : memref<10240x64xf32, #tpu.memory_space<vmem_shared>> -> memref<640x64xf32, #tpu.memory_space<vmem_shared>>
      tpu.enqueue_dma source(%dma_start3A_207 : memref<640x64xf32, #tpu.memory_space<vmem_shared>>) target(%dma_start3A_205 : memref<640x64xf32, #tpu.memory_space<hbm>>) target_semaphore(%run_scoped3A_202 : memref<!tpu.dma_semaphore, #tpu.memory_space<semaphore_mem>>)
      %dma_wait3A_208 = arith.constant 0 : i32
      %dma_wait3A_209 = tpu.memref_slice %arg5[%arg0, %mul3A_0, %dma_wait3A_208] : memref<2x10240x128xf32, #tpu.memory_space<hbm>> -> memref<1x640x64xf32, #tpu.memory_space<hbm>>
      %dma_wait3A_210 = tpu.memref_squeeze %dma_wait3A_209 : memref<1x640x64xf32, #tpu.memory_space<hbm>> -> memref<640x64xf32, #tpu.memory_space<hbm>>
      %dma_wait3A_211 = arith.constant 0 : i32
      %dma_wait3A_212 = tpu.memref_slice %arg10[%mul3A_0, %dma_wait3A_211] : memref<10240x64xf32, #tpu.memory_space<vmem_shared>> -> memref<640x64xf32, #tpu.memory_space<vmem_shared>>
      tpu.wait_dma2 semaphore(%run_scoped3A_202 : memref<!tpu.dma_semaphore, #tpu.memory_space<semaphore_mem>>) src(%dma_wait3A_212 : memref<640x64xf32, #tpu.memory_space<vmem_shared>>) dst(%dma_wait3A_210 : memref<640x64xf32, #tpu.memory_space<hbm>>)
      tpu.yield
    }) : () -> ()
    %barrier3A_98 = arith.constant 0 : index
    tpu.barrier barrier_id(%barrier3A_98)
    "tpu.region"() ({
      %run_scoped3A_202 = tpu.sem_alloc : memref<!tpu.dma_semaphore, #tpu.memory_space<semaphore_mem>>
      %dma_start3A_203 = arith.constant 0 : i32
      %dma_start3A_204 = tpu.memref_slice %arg9[%mul3A_0, %dma_start3A_203] : memref<10240x64xf32, #tpu.memory_space<vmem_shared>> -> memref<640x64xf32, #tpu.memory_space<vmem_shared>>
      %dma_start3A_205 = arith.constant 64 : i32
      %dma_start3A_206 = tpu.memref_slice %arg4[%arg0, %mul3A_0, %dma_start3A_205] : memref<2x10240x128xf32, #tpu.memory_space<hbm>> -> memref<1x640x64xf32, #tpu.memory_space<hbm>>
      %dma_start3A_207 = tpu.memref_squeeze %dma_start3A_206 : memref<1x640x64xf32, #tpu.memory_space<hbm>> -> memref<640x64xf32, #tpu.memory_space<hbm>>
      tpu.enqueue_dma source(%dma_start3A_207 : memref<640x64xf32, #tpu.memory_space<hbm>>) target(%dma_start3A_204 : memref<640x64xf32, #tpu.memory_space<vmem_shared>>) target_semaphore(%run_scoped3A_202 : memref<!tpu.dma_semaphore, #tpu.memory_space<semaphore_mem>>)
      %dma_wait3A_208 = arith.constant 0 : i32
      %dma_wait3A_209 = tpu.memref_slice %arg9[%mul3A_0, %dma_wait3A_208] : memref<10240x64xf32, #tpu.memory_space<vmem_shared>> -> memref<640x64xf32, #tpu.memory_space<vmem_shared>>
      %dma_wait3A_210 = arith.constant 64 : i32
      %dma_wait3A_211 = tpu.memref_slice %arg4[%arg0, %mul3A_0, %dma_wait3A_210] : memref<2x10240x128xf32, #tpu.memory_space<hbm>> -> memref<1x640x64xf32, #tpu.memory_space<hbm>>
      %dma_wait3A_212 = tpu.memref_squeeze %dma_wait3A_211 : memref<1x640x64xf32, #tpu.memory_space<hbm>> -> memref<640x64xf32, #tpu.memory_space<hbm>>
      tpu.wait_dma2 semaphore(%run_scoped3A_202 : memref<!tpu.dma_semaphore, #tpu.memory_space<semaphore_mem>>) src(%dma_wait3A_212 : memref<640x64xf32, #tpu.memory_space<hbm>>) dst(%dma_wait3A_209 : memref<640x64xf32, #tpu.memory_space<vmem_shared>>)
      tpu.yield
    }) : () -> ()
    %scan3A_99 = arith.constant 0 : i32
    %scan3A_100 = arith.constant 512 : i32
    %scan3A_101 = arith.addi %scan3A_99, %scan3A_100 : i32
    %scan3A_102 = arith.constant 1 : i32
    scf.for %scan3A_202 = %scan3A_99 to %scan3A_101 step %scan3A_102  : i32 {
      %jit3A = arith.constant 4 : i32
      %div3A = arith.divsi %scan3A_202, %jit3A : i32
      %sign3A = arith.constant 0 : i32
      %sign3A_203 = arith.cmpi sgt, %scan3A_202, %sign3A : i32
      %sign3A_204 = arith.extui %sign3A_203 : i1 to i32
      %sign3A_205 = arith.constant 0 : i32
      %sign3A_206 = arith.cmpi slt, %scan3A_202, %sign3A_205 : i32
      %sign3A_207 = arith.extui %sign3A_206 : i1 to i32
      %sign3A_208 = arith.subi %sign3A_204, %sign3A_207 : i32
      %sign3A_209 = arith.constant 0 : i32
      %sign3A_210 = arith.cmpi sgt, %jit3A, %sign3A_209 : i32
      %sign3A_211 = arith.extui %sign3A_210 : i1 to i32
      %sign3A_212 = arith.constant 0 : i32
      %sign3A_213 = arith.cmpi slt, %jit3A, %sign3A_212 : i32
      %sign3A_214 = arith.extui %sign3A_213 : i1 to i32
      %sign3A_215 = arith.subi %sign3A_211, %sign3A_214 : i32
      %ne3A = arith.cmpi ne, %sign3A_208, %sign3A_215 : i32
      %rem3A = arith.remsi %scan3A_202, %jit3A : i32
      %ne3A_216 = arith.constant 0 : i32
      %ne3A_217 = arith.cmpi ne, %rem3A, %ne3A_216 : i32
      %and3A = arith.andi %ne3A, %ne3A_217 : i1
      %sub3A = arith.constant 1 : i32
      %sub3A_218 = arith.subi %div3A, %sub3A : i32
      %select_n3A = arith.select %and3A, %sub3A_218, %div3A : i32
      %jit3A_219 = arith.constant 4 : i32
      %eq3A = arith.constant 0 : i32
      %eq3A_220 = arith.cmpi eq, %jit3A_219, %eq3A : i32
      %jit3A_221 = arith.constant 1 : i32
      %select_n3A_222 = arith.select %eq3A_220, %jit3A_221, %jit3A_219 : i32
      %rem3A_223 = arith.remsi %scan3A_202, %select_n3A_222 : i32
      %ne3A_224 = arith.constant 0 : i32
      %ne3A_225 = arith.cmpi ne, %rem3A_223, %ne3A_224 : i32
      %lt3A = arith.constant 0 : i32
      %lt3A_226 = arith.cmpi slt, %rem3A_223, %lt3A : i32
      %lt3A_227 = arith.constant 0 : i32
      %lt3A_228 = arith.cmpi slt, %select_n3A_222, %lt3A_227 : i32
      %ne3A_229 = arith.xori %lt3A_226, %lt3A_228 : i1
      %and3A_230 = arith.andi %ne3A_229, %ne3A_225 : i1
      %add3A_231 = arith.addi %rem3A_223, %select_n3A_222 : i32
      %select_n3A_232 = arith.select %and3A_230, %add3A_231, %rem3A_223 : i32
      %mul3A_233 = arith.constant 16 : i32
      %mul3A_234 = arith.muli %select_n3A_232, %mul3A_233 : i32
      %swap3A = arith.constant 0 : i32
      %swap3A_235 = arith.index_cast %swap3A : i32 to index
      %swap3A_236 = arith.index_cast %select_n3A : i32 to index
      %swap3A_237 = arith.index_cast %mul3A_234 : i32 to index
      %swap3A_238 = tpu.vector_load %arg8[%swap3A_235, %swap3A_236, %swap3A_237] {strides = array<i32>} : memref<3x128x64xf32, #tpu.memory_space<vmem>>, vector<16xf32>,
      tpu.vector_store %arg8[%swap3A_235, %swap3A_236, %swap3A_237], %broadcast_in_dim3A_1 {strides = array<i32>} : memref<3x128x64xf32, #tpu.memory_space<vmem>>, vector<16xf32>,
    }
    %scan3A_103 = arith.constant 512 : i32
    %add3A_104 = arith.constant 0 : i32
    %add3A_105 = arith.addi %mul3A_0, %add3A_104 : i32
    %run_scoped3A_106 = arith.constant 0 : i32
    "tpu.region"() ({
      %run_scoped3A_202 = tpu.sem_alloc : memref<!tpu.dma_semaphore, #tpu.memory_space<semaphore_mem>>
      %dma_start3A_203 = arith.constant 0 : i32
      %dma_start3A_204 = arith.constant 0 : i32
      %dma_start3A_205 = tpu.memref_slice %arg8[%run_scoped3A_106, %dma_start3A_203, %dma_start3A_204] : memref<3x128x64xf32, #tpu.memory_space<vmem>> -> memref<1x128x64xf32, #tpu.memory_space<vmem>>
      %dma_start3A_206 = tpu.memref_squeeze %dma_start3A_205 : memref<1x128x64xf32, #tpu.memory_space<vmem>> -> memref<128x64xf32, #tpu.memory_space<vmem>>
      %dma_start3A_207 = arith.constant 0 : i32
      %dma_start3A_208 = tpu.memref_slice %arg10[%add3A_105, %dma_start3A_207] : memref<10240x64xf32, #tpu.memory_space<vmem_shared>> -> memref<128x64xf32, #tpu.memory_space<vmem_shared>>
      %dma_start3A_209 = arith.constant 0 : i32
      %dma_start3A_210 = tpu.memref_slice %arg10[%add3A_105, %dma_start3A_209] : memref<10240x64xf32, #tpu.memory_space<vmem_shared>> -> memref<128x64xf32, #tpu.memory_space<vmem_shared>>
      %dma_start3A_211 = arith.constant 0 : i32
      %dma_start3A_212 = arith.constant 0 : i32
      %dma_start3A_213 = tpu.memref_slice %arg8[%run_scoped3A_106, %dma_start3A_211, %dma_start3A_212] : memref<3x128x64xf32, #tpu.memory_space<vmem>> -> memref<1x128x64xf32, #tpu.memory_space<vmem>>
      %dma_start3A_214 = tpu.memref_squeeze %dma_start3A_213 : memref<1x128x64xf32, #tpu.memory_space<vmem>> -> memref<128x64xf32, #tpu.memory_space<vmem>>
      tpu.enqueue_dma source(%dma_start3A_214 : memref<128x64xf32, #tpu.memory_space<vmem>>) target(%dma_start3A_210 : memref<128x64xf32, #tpu.memory_space<vmem_shared>>) target_semaphore(%run_scoped3A_202 : memref<!tpu.dma_semaphore, #tpu.memory_space<semaphore_mem>>)
      %dma_wait3A_215 = arith.constant 0 : i32
      %dma_wait3A_216 = arith.constant 0 : i32
      %dma_wait3A_217 = tpu.memref_slice %arg8[%run_scoped3A_106, %dma_wait3A_215, %dma_wait3A_216] : memref<3x128x64xf32, #tpu.memory_space<vmem>> -> memref<1x128x64xf32, #tpu.memory_space<vmem>>
      %dma_wait3A_218 = tpu.memref_squeeze %dma_wait3A_217 : memref<1x128x64xf32, #tpu.memory_space<vmem>> -> memref<128x64xf32, #tpu.memory_space<vmem>>
      %dma_wait3A_219 = arith.constant 0 : i32
      %dma_wait3A_220 = tpu.memref_slice %arg10[%add3A_105, %dma_wait3A_219] : memref<10240x64xf32, #tpu.memory_space<vmem_shared>> -> memref<128x64xf32, #tpu.memory_space<vmem_shared>>
      %dma_wait3A_221 = arith.constant 0 : i32
      %dma_wait3A_222 = tpu.memref_slice %arg10[%add3A_105, %dma_wait3A_221] : memref<10240x64xf32, #tpu.memory_space<vmem_shared>> -> memref<128x64xf32, #tpu.memory_space<vmem_shared>>
      %dma_wait3A_223 = arith.constant 0 : i32
      %dma_wait3A_224 = arith.constant 0 : i32
      %dma_wait3A_225 = tpu.memref_slice %arg8[%run_scoped3A_106, %dma_wait3A_223, %dma_wait3A_224] : memref<3x128x64xf32, #tpu.memory_space<vmem>> -> memref<1x128x64xf32, #tpu.memory_space<vmem>>
      %dma_wait3A_226 = tpu.memref_squeeze %dma_wait3A_225 : memref<1x128x64xf32, #tpu.memory_space<vmem>> -> memref<128x64xf32, #tpu.memory_space<vmem>>
      tpu.wait_dma2 semaphore(%run_scoped3A_202 : memref<!tpu.dma_semaphore, #tpu.memory_space<semaphore_mem>>) src(%dma_wait3A_226 : memref<128x64xf32, #tpu.memory_space<vmem>>) dst(%dma_wait3A_222 : memref<128x64xf32, #tpu.memory_space<vmem_shared>>)
      tpu.yield
    }) : () -> ()
    %add3A_107 = arith.constant 128 : i32
    %add3A_108 = arith.addi %mul3A_0, %add3A_107 : i32
    %run_scoped3A_109 = arith.constant 0 : i32
    "tpu.region"() ({
      %run_scoped3A_202 = tpu.sem_alloc : memref<!tpu.dma_semaphore, #tpu.memory_space<semaphore_mem>>
      %dma_start3A_203 = arith.constant 0 : i32
      %dma_start3A_204 = arith.constant 0 : i32
      %dma_start3A_205 = tpu.memref_slice %arg8[%run_scoped3A_109, %dma_start3A_203, %dma_start3A_204] : memref<3x128x64xf32, #tpu.memory_space<vmem>> -> memref<1x128x64xf32, #tpu.memory_space<vmem>>
      %dma_start3A_206 = tpu.memref_squeeze %dma_start3A_205 : memref<1x128x64xf32, #tpu.memory_space<vmem>> -> memref<128x64xf32, #tpu.memory_space<vmem>>
      %dma_start3A_207 = arith.constant 0 : i32
      %dma_start3A_208 = tpu.memref_slice %arg10[%add3A_108, %dma_start3A_207] : memref<10240x64xf32, #tpu.memory_space<vmem_shared>> -> memref<128x64xf32, #tpu.memory_space<vmem_shared>>
      %dma_start3A_209 = arith.constant 0 : i32
      %dma_start3A_210 = tpu.memref_slice %arg10[%add3A_108, %dma_start3A_209] : memref<10240x64xf32, #tpu.memory_space<vmem_shared>> -> memref<128x64xf32, #tpu.memory_space<vmem_shared>>
      %dma_start3A_211 = arith.constant 0 : i32
      %dma_start3A_212 = arith.constant 0 : i32
      %dma_start3A_213 = tpu.memref_slice %arg8[%run_scoped3A_109, %dma_start3A_211, %dma_start3A_212] : memref<3x128x64xf32, #tpu.memory_space<vmem>> -> memref<1x128x64xf32, #tpu.memory_space<vmem>>
      %dma_start3A_214 = tpu.memref_squeeze %dma_start3A_213 : memref<1x128x64xf32, #tpu.memory_space<vmem>> -> memref<128x64xf32, #tpu.memory_space<vmem>>
      tpu.enqueue_dma source(%dma_start3A_214 : memref<128x64xf32, #tpu.memory_space<vmem>>) target(%dma_start3A_210 : memref<128x64xf32, #tpu.memory_space<vmem_shared>>) target_semaphore(%run_scoped3A_202 : memref<!tpu.dma_semaphore, #tpu.memory_space<semaphore_mem>>)
      %dma_wait3A_215 = arith.constant 0 : i32
      %dma_wait3A_216 = arith.constant 0 : i32
      %dma_wait3A_217 = tpu.memref_slice %arg8[%run_scoped3A_109, %dma_wait3A_215, %dma_wait3A_216] : memref<3x128x64xf32, #tpu.memory_space<vmem>> -> memref<1x128x64xf32, #tpu.memory_space<vmem>>
      %dma_wait3A_218 = tpu.memref_squeeze %dma_wait3A_217 : memref<1x128x64xf32, #tpu.memory_space<vmem>> -> memref<128x64xf32, #tpu.memory_space<vmem>>
      %dma_wait3A_219 = arith.constant 0 : i32
      %dma_wait3A_220 = tpu.memref_slice %arg10[%add3A_108, %dma_wait3A_219] : memref<10240x64xf32, #tpu.memory_space<vmem_shared>> -> memref<128x64xf32, #tpu.memory_space<vmem_shared>>
      %dma_wait3A_221 = arith.constant 0 : i32
      %dma_wait3A_222 = tpu.memref_slice %arg10[%add3A_108, %dma_wait3A_221] : memref<10240x64xf32, #tpu.memory_space<vmem_shared>> -> memref<128x64xf32, #tpu.memory_space<vmem_shared>>
      %dma_wait3A_223 = arith.constant 0 : i32
      %dma_wait3A_224 = arith.constant 0 : i32
      %dma_wait3A_225 = tpu.memref_slice %arg8[%run_scoped3A_109, %dma_wait3A_223, %dma_wait3A_224] : memref<3x128x64xf32, #tpu.memory_space<vmem>> -> memref<1x128x64xf32, #tpu.memory_space<vmem>>
      %dma_wait3A_226 = tpu.memref_squeeze %dma_wait3A_225 : memref<1x128x64xf32, #tpu.memory_space<vmem>> -> memref<128x64xf32, #tpu.memory_space<vmem>>
      tpu.wait_dma2 semaphore(%run_scoped3A_202 : memref<!tpu.dma_semaphore, #tpu.memory_space<semaphore_mem>>) src(%dma_wait3A_226 : memref<128x64xf32, #tpu.memory_space<vmem>>) dst(%dma_wait3A_222 : memref<128x64xf32, #tpu.memory_space<vmem_shared>>)
      tpu.yield
    }) : () -> ()
    %add3A_110 = arith.constant 256 : i32
    %add3A_111 = arith.addi %mul3A_0, %add3A_110 : i32
    %run_scoped3A_112 = arith.constant 0 : i32
    "tpu.region"() ({
      %run_scoped3A_202 = tpu.sem_alloc : memref<!tpu.dma_semaphore, #tpu.memory_space<semaphore_mem>>
      %dma_start3A_203 = arith.constant 0 : i32
      %dma_start3A_204 = arith.constant 0 : i32
      %dma_start3A_205 = tpu.memref_slice %arg8[%run_scoped3A_112, %dma_start3A_203, %dma_start3A_204] : memref<3x128x64xf32, #tpu.memory_space<vmem>> -> memref<1x128x64xf32, #tpu.memory_space<vmem>>
      %dma_start3A_206 = tpu.memref_squeeze %dma_start3A_205 : memref<1x128x64xf32, #tpu.memory_space<vmem>> -> memref<128x64xf32, #tpu.memory_space<vmem>>
      %dma_start3A_207 = arith.constant 0 : i32
      %dma_start3A_208 = tpu.memref_slice %arg10[%add3A_111, %dma_start3A_207] : memref<10240x64xf32, #tpu.memory_space<vmem_shared>> -> memref<128x64xf32, #tpu.memory_space<vmem_shared>>
      %dma_start3A_209 = arith.constant 0 : i32
      %dma_start3A_210 = tpu.memref_slice %arg10[%add3A_111, %dma_start3A_209] : memref<10240x64xf32, #tpu.memory_space<vmem_shared>> -> memref<128x64xf32, #tpu.memory_space<vmem_shared>>
      %dma_start3A_211 = arith.constant 0 : i32
      %dma_start3A_212 = arith.constant 0 : i32
      %dma_start3A_213 = tpu.memref_slice %arg8[%run_scoped3A_112, %dma_start3A_211, %dma_start3A_212] : memref<3x128x64xf32, #tpu.memory_space<vmem>> -> memref<1x128x64xf32, #tpu.memory_space<vmem>>
      %dma_start3A_214 = tpu.memref_squeeze %dma_start3A_213 : memref<1x128x64xf32, #tpu.memory_space<vmem>> -> memref<128x64xf32, #tpu.memory_space<vmem>>
      tpu.enqueue_dma source(%dma_start3A_214 : memref<128x64xf32, #tpu.memory_space<vmem>>) target(%dma_start3A_210 : memref<128x64xf32, #tpu.memory_space<vmem_shared>>) target_semaphore(%run_scoped3A_202 : memref<!tpu.dma_semaphore, #tpu.memory_space<semaphore_mem>>)
      %dma_wait3A_215 = arith.constant 0 : i32
      %dma_wait3A_216 = arith.constant 0 : i32
      %dma_wait3A_217 = tpu.memref_slice %arg8[%run_scoped3A_112, %dma_wait3A_215, %dma_wait3A_216] : memref<3x128x64xf32, #tpu.memory_space<vmem>> -> memref<1x128x64xf32, #tpu.memory_space<vmem>>
      %dma_wait3A_218 = tpu.memref_squeeze %dma_wait3A_217 : memref<1x128x64xf32, #tpu.memory_space<vmem>> -> memref<128x64xf32, #tpu.memory_space<vmem>>
      %dma_wait3A_219 = arith.constant 0 : i32
      %dma_wait3A_220 = tpu.memref_slice %arg10[%add3A_111, %dma_wait3A_219] : memref<10240x64xf32, #tpu.memory_space<vmem_shared>> -> memref<128x64xf32, #tpu.memory_space<vmem_shared>>
      %dma_wait3A_221 = arith.constant 0 : i32
      %dma_wait3A_222 = tpu.memref_slice %arg10[%add3A_111, %dma_wait3A_221] : memref<10240x64xf32, #tpu.memory_space<vmem_shared>> -> memref<128x64xf32, #tpu.memory_space<vmem_shared>>
      %dma_wait3A_223 = arith.constant 0 : i32
      %dma_wait3A_224 = arith.constant 0 : i32
      %dma_wait3A_225 = tpu.memref_slice %arg8[%run_scoped3A_112, %dma_wait3A_223, %dma_wait3A_224] : memref<3x128x64xf32, #tpu.memory_space<vmem>> -> memref<1x128x64xf32, #tpu.memory_space<vmem>>
      %dma_wait3A_226 = tpu.memref_squeeze %dma_wait3A_225 : memref<1x128x64xf32, #tpu.memory_space<vmem>> -> memref<128x64xf32, #tpu.memory_space<vmem>>
      tpu.wait_dma2 semaphore(%run_scoped3A_202 : memref<!tpu.dma_semaphore, #tpu.memory_space<semaphore_mem>>) src(%dma_wait3A_226 : memref<128x64xf32, #tpu.memory_space<vmem>>) dst(%dma_wait3A_222 : memref<128x64xf32, #tpu.memory_space<vmem_shared>>)
      tpu.yield
    }) : () -> ()
    %add3A_113 = arith.constant 384 : i32
    %add3A_114 = arith.addi %mul3A_0, %add3A_113 : i32
    %run_scoped3A_115 = arith.constant 0 : i32
    "tpu.region"() ({
      %run_scoped3A_202 = tpu.sem_alloc : memref<!tpu.dma_semaphore, #tpu.memory_space<semaphore_mem>>
      %dma_start3A_203 = arith.constant 0 : i32
      %dma_start3A_204 = arith.constant 0 : i32
      %dma_start3A_205 = tpu.memref_slice %arg8[%run_scoped3A_115, %dma_start3A_203, %dma_start3A_204] : memref<3x128x64xf32, #tpu.memory_space<vmem>> -> memref<1x128x64xf32, #tpu.memory_space<vmem>>
      %dma_start3A_206 = tpu.memref_squeeze %dma_start3A_205 : memref<1x128x64xf32, #tpu.memory_space<vmem>> -> memref<128x64xf32, #tpu.memory_space<vmem>>
      %dma_start3A_207 = arith.constant 0 : i32
      %dma_start3A_208 = tpu.memref_slice %arg10[%add3A_114, %dma_start3A_207] : memref<10240x64xf32, #tpu.memory_space<vmem_shared>> -> memref<128x64xf32, #tpu.memory_space<vmem_shared>>
      %dma_start3A_209 = arith.constant 0 : i32
      %dma_start3A_210 = tpu.memref_slice %arg10[%add3A_114, %dma_start3A_209] : memref<10240x64xf32, #tpu.memory_space<vmem_shared>> -> memref<128x64xf32, #tpu.memory_space<vmem_shared>>
      %dma_start3A_211 = arith.constant 0 : i32
      %dma_start3A_212 = arith.constant 0 : i32
      %dma_start3A_213 = tpu.memref_slice %arg8[%run_scoped3A_115, %dma_start3A_211, %dma_start3A_212] : memref<3x128x64xf32, #tpu.memory_space<vmem>> -> memref<1x128x64xf32, #tpu.memory_space<vmem>>
      %dma_start3A_214 = tpu.memref_squeeze %dma_start3A_213 : memref<1x128x64xf32, #tpu.memory_space<vmem>> -> memref<128x64xf32, #tpu.memory_space<vmem>>
      tpu.enqueue_dma source(%dma_start3A_214 : memref<128x64xf32, #tpu.memory_space<vmem>>) target(%dma_start3A_210 : memref<128x64xf32, #tpu.memory_space<vmem_shared>>) target_semaphore(%run_scoped3A_202 : memref<!tpu.dma_semaphore, #tpu.memory_space<semaphore_mem>>)
      %dma_wait3A_215 = arith.constant 0 : i32
      %dma_wait3A_216 = arith.constant 0 : i32
      %dma_wait3A_217 = tpu.memref_slice %arg8[%run_scoped3A_115, %dma_wait3A_215, %dma_wait3A_216] : memref<3x128x64xf32, #tpu.memory_space<vmem>> -> memref<1x128x64xf32, #tpu.memory_space<vmem>>
      %dma_wait3A_218 = tpu.memref_squeeze %dma_wait3A_217 : memref<1x128x64xf32, #tpu.memory_space<vmem>> -> memref<128x64xf32, #tpu.memory_space<vmem>>
      %dma_wait3A_219 = arith.constant 0 : i32
      %dma_wait3A_220 = tpu.memref_slice %arg10[%add3A_114, %dma_wait3A_219] : memref<10240x64xf32, #tpu.memory_space<vmem_shared>> -> memref<128x64xf32, #tpu.memory_space<vmem_shared>>
      %dma_wait3A_221 = arith.constant 0 : i32
      %dma_wait3A_222 = tpu.memref_slice %arg10[%add3A_114, %dma_wait3A_221] : memref<10240x64xf32, #tpu.memory_space<vmem_shared>> -> memref<128x64xf32, #tpu.memory_space<vmem_shared>>
      %dma_wait3A_223 = arith.constant 0 : i32
      %dma_wait3A_224 = arith.constant 0 : i32
      %dma_wait3A_225 = tpu.memref_slice %arg8[%run_scoped3A_115, %dma_wait3A_223, %dma_wait3A_224] : memref<3x128x64xf32, #tpu.memory_space<vmem>> -> memref<1x128x64xf32, #tpu.memory_space<vmem>>
      %dma_wait3A_226 = tpu.memref_squeeze %dma_wait3A_225 : memref<1x128x64xf32, #tpu.memory_space<vmem>> -> memref<128x64xf32, #tpu.memory_space<vmem>>
      tpu.wait_dma2 semaphore(%run_scoped3A_202 : memref<!tpu.dma_semaphore, #tpu.memory_space<semaphore_mem>>) src(%dma_wait3A_226 : memref<128x64xf32, #tpu.memory_space<vmem>>) dst(%dma_wait3A_222 : memref<128x64xf32, #tpu.memory_space<vmem_shared>>)
      tpu.yield
    }) : () -> ()
    %add3A_116 = arith.constant 512 : i32
    %add3A_117 = arith.addi %mul3A_0, %add3A_116 : i32
    %run_scoped3A_118 = arith.constant 0 : i32
    "tpu.region"() ({
      %run_scoped3A_202 = tpu.sem_alloc : memref<!tpu.dma_semaphore, #tpu.memory_space<semaphore_mem>>
      %dma_start3A_203 = arith.constant 0 : i32
      %dma_start3A_204 = arith.constant 0 : i32
      %dma_start3A_205 = tpu.memref_slice %arg8[%run_scoped3A_118, %dma_start3A_203, %dma_start3A_204] : memref<3x128x64xf32, #tpu.memory_space<vmem>> -> memref<1x128x64xf32, #tpu.memory_space<vmem>>
      %dma_start3A_206 = tpu.memref_squeeze %dma_start3A_205 : memref<1x128x64xf32, #tpu.memory_space<vmem>> -> memref<128x64xf32, #tpu.memory_space<vmem>>
      %dma_start3A_207 = arith.constant 0 : i32
      %dma_start3A_208 = tpu.memref_slice %arg10[%add3A_117, %dma_start3A_207] : memref<10240x64xf32, #tpu.memory_space<vmem_shared>> -> memref<128x64xf32, #tpu.memory_space<vmem_shared>>
      %dma_start3A_209 = arith.constant 0 : i32
      %dma_start3A_210 = tpu.memref_slice %arg10[%add3A_117, %dma_start3A_209] : memref<10240x64xf32, #tpu.memory_space<vmem_shared>> -> memref<128x64xf32, #tpu.memory_space<vmem_shared>>
      %dma_start3A_211 = arith.constant 0 : i32
      %dma_start3A_212 = arith.constant 0 : i32
      %dma_start3A_213 = tpu.memref_slice %arg8[%run_scoped3A_118, %dma_start3A_211, %dma_start3A_212] : memref<3x128x64xf32, #tpu.memory_space<vmem>> -> memref<1x128x64xf32, #tpu.memory_space<vmem>>
      %dma_start3A_214 = tpu.memref_squeeze %dma_start3A_213 : memref<1x128x64xf32, #tpu.memory_space<vmem>> -> memref<128x64xf32, #tpu.memory_space<vmem>>
      tpu.enqueue_dma source(%dma_start3A_214 : memref<128x64xf32, #tpu.memory_space<vmem>>) target(%dma_start3A_210 : memref<128x64xf32, #tpu.memory_space<vmem_shared>>) target_semaphore(%run_scoped3A_202 : memref<!tpu.dma_semaphore, #tpu.memory_space<semaphore_mem>>)
      %dma_wait3A_215 = arith.constant 0 : i32
      %dma_wait3A_216 = arith.constant 0 : i32
      %dma_wait3A_217 = tpu.memref_slice %arg8[%run_scoped3A_118, %dma_wait3A_215, %dma_wait3A_216] : memref<3x128x64xf32, #tpu.memory_space<vmem>> -> memref<1x128x64xf32, #tpu.memory_space<vmem>>
      %dma_wait3A_218 = tpu.memref_squeeze %dma_wait3A_217 : memref<1x128x64xf32, #tpu.memory_space<vmem>> -> memref<128x64xf32, #tpu.memory_space<vmem>>
      %dma_wait3A_219 = arith.constant 0 : i32
      %dma_wait3A_220 = tpu.memref_slice %arg10[%add3A_117, %dma_wait3A_219] : memref<10240x64xf32, #tpu.memory_space<vmem_shared>> -> memref<128x64xf32, #tpu.memory_space<vmem_shared>>
      %dma_wait3A_221 = arith.constant 0 : i32
      %dma_wait3A_222 = tpu.memref_slice %arg10[%add3A_117, %dma_wait3A_221] : memref<10240x64xf32, #tpu.memory_space<vmem_shared>> -> memref<128x64xf32, #tpu.memory_space<vmem_shared>>
      %dma_wait3A_223 = arith.constant 0 : i32
      %dma_wait3A_224 = arith.constant 0 : i32
      %dma_wait3A_225 = tpu.memref_slice %arg8[%run_scoped3A_118, %dma_wait3A_223, %dma_wait3A_224] : memref<3x128x64xf32, #tpu.memory_space<vmem>> -> memref<1x128x64xf32, #tpu.memory_space<vmem>>
      %dma_wait3A_226 = tpu.memref_squeeze %dma_wait3A_225 : memref<1x128x64xf32, #tpu.memory_space<vmem>> -> memref<128x64xf32, #tpu.memory_space<vmem>>
      tpu.wait_dma2 semaphore(%run_scoped3A_202 : memref<!tpu.dma_semaphore, #tpu.memory_space<semaphore_mem>>) src(%dma_wait3A_226 : memref<128x64xf32, #tpu.memory_space<vmem>>) dst(%dma_wait3A_222 : memref<128x64xf32, #tpu.memory_space<vmem_shared>>)
      tpu.yield
    }) : () -> ()
    %barrier3A_119 = arith.constant 0 : index
    tpu.barrier barrier_id(%barrier3A_119)
    %dma_start3A_120 = arith.constant 0 : i32
    %dma_start3A_121 = arith.constant 0 : i32
    %dma_start3A_122 = arith.constant 0 : i32
    %dma_start3A_123 = arith.constant 0 : i32
    %dma_start3A_124 = arith.constant 0 : i32
    %dma_start3A_125 = tpu.memref_slice %arg8[%dma_start3A_121, %dma_start3A_123, %dma_start3A_124] : memref<3x128x64xf32, #tpu.memory_space<vmem>> -> memref<1x128x64xf32, #tpu.memory_space<vmem>>
    %dma_start3A_126 = tpu.memref_squeeze %dma_start3A_125 : memref<1x128x64xf32, #tpu.memory_space<vmem>> -> memref<128x64xf32, #tpu.memory_space<vmem>>
    %dma_start3A_127 = arith.constant 0 : i32
    %dma_start3A_128 = tpu.memref_slice %arg6[%dma_start3A_120, %dma_start3A_127] : memref<80x128xi32, #tpu.memory_space<vmem>> -> memref<1x128xi32, #tpu.memory_space<vmem>>
    %dma_start3A_129 = tpu.memref_squeeze %dma_start3A_128 : memref<1x128xi32, #tpu.memory_space<vmem>> -> memref<128xi32, #tpu.memory_space<vmem>>
    %dma_start3A_130 = arith.constant 0 : i32
    %dma_start3A_131 = arith.constant 0 : i32
    %dma_start3A_132 = tpu.memref_slice %arg9[%dma_start3A_130, %dma_start3A_131] : memref<10240x64xf32, #tpu.memory_space<vmem_shared>> -> memref<10240x64xf32, #tpu.memory_space<vmem_shared>>
    %dma_start3A_133 = tpu.memref_slice %arg11[%dma_start3A_122] : memref<3x!tpu.dma_semaphore, #tpu.memory_space<semaphore_mem>> -> memref<1x!tpu.dma_semaphore, #tpu.memory_space<semaphore_mem>>
    %dma_start3A_134 = tpu.memref_squeeze %dma_start3A_133 : memref<1x!tpu.dma_semaphore, #tpu.memory_space<semaphore_mem>> -> memref<!tpu.dma_semaphore, #tpu.memory_space<semaphore_mem>>
    tpu.enqueue_indirect_dma source(%dma_start3A_132 : memref<10240x64xf32, #tpu.memory_space<vmem_shared>>) target(%dma_start3A_126 : memref<128x64xf32, #tpu.memory_space<vmem>>) offsets(%dma_start3A_129 : memref<128xi32, #tpu.memory_space<vmem>>) semaphore(%dma_start3A_134 : memref<!tpu.dma_semaphore, #tpu.memory_space<semaphore_mem>>)
    %dma_start3A_135 = arith.constant 1 : i32
    %dma_start3A_136 = arith.constant 1 : i32
    %dma_start3A_137 = arith.constant 1 : i32
    %dma_start3A_138 = arith.constant 0 : i32
    %dma_start3A_139 = arith.constant 0 : i32
    %dma_start3A_140 = tpu.memref_slice %arg8[%dma_start3A_136, %dma_start3A_138, %dma_start3A_139] : memref<3x128x64xf32, #tpu.memory_space<vmem>> -> memref<1x128x64xf32, #tpu.memory_space<vmem>>
    %dma_start3A_141 = tpu.memref_squeeze %dma_start3A_140 : memref<1x128x64xf32, #tpu.memory_space<vmem>> -> memref<128x64xf32, #tpu.memory_space<vmem>>
    %dma_start3A_142 = arith.constant 0 : i32
    %dma_start3A_143 = tpu.memref_slice %arg6[%dma_start3A_135, %dma_start3A_142] : memref<80x128xi32, #tpu.memory_space<vmem>> -> memref<1x128xi32, #tpu.memory_space<vmem>>
    %dma_start3A_144 = tpu.memref_squeeze %dma_start3A_143 : memref<1x128xi32, #tpu.memory_space<vmem>> -> memref<128xi32, #tpu.memory_space<vmem>>
    %dma_start3A_145 = arith.constant 0 : i32
    %dma_start3A_146 = arith.constant 0 : i32
    %dma_start3A_147 = tpu.memref_slice %arg9[%dma_start3A_145, %dma_start3A_146] : memref<10240x64xf32, #tpu.memory_space<vmem_shared>> -> memref<10240x64xf32, #tpu.memory_space<vmem_shared>>
    %dma_start3A_148 = tpu.memref_slice %arg11[%dma_start3A_137] : memref<3x!tpu.dma_semaphore, #tpu.memory_space<semaphore_mem>> -> memref<1x!tpu.dma_semaphore, #tpu.memory_space<semaphore_mem>>
    %dma_start3A_149 = tpu.memref_squeeze %dma_start3A_148 : memref<1x!tpu.dma_semaphore, #tpu.memory_space<semaphore_mem>> -> memref<!tpu.dma_semaphore, #tpu.memory_space<semaphore_mem>>
    tpu.enqueue_indirect_dma source(%dma_start3A_147 : memref<10240x64xf32, #tpu.memory_space<vmem_shared>>) target(%dma_start3A_141 : memref<128x64xf32, #tpu.memory_space<vmem>>) offsets(%dma_start3A_144 : memref<128xi32, #tpu.memory_space<vmem>>) semaphore(%dma_start3A_149 : memref<!tpu.dma_semaphore, #tpu.memory_space<semaphore_mem>>)
    %scan3A_150 = arith.constant 0 : i32
    %scan3A_151 = arith.constant 80 : i32
    %scan3A_152 = arith.addi %scan3A_150, %scan3A_151 : i32
    %scan3A_153 = arith.constant 1 : i32
    scf.for %scan3A_202 = %scan3A_150 to %scan3A_152 step %scan3A_153  : i32 {
      %rem3A = arith.constant 3 : i32
      %rem3A_203 = arith.remsi %scan3A_202, %rem3A : i32
      %add3A_204 = arith.constant 3 : i32
      %add3A_205 = arith.addi %scan3A_202, %add3A_204 : i32
      %sub3A = arith.constant 1 : i32
      %sub3A_206 = arith.subi %add3A_205, %sub3A : i32
      %rem3A_207 = arith.constant 3 : i32
      %rem3A_208 = arith.remsi %sub3A_206, %rem3A_207 : i32
      %lt3A = arith.constant 80 : i32
      %lt3A_209 = arith.cmpi slt, %sub3A_206, %lt3A : i32
      %ge3A = arith.constant 1 : i32
      %ge3A_210 = arith.cmpi sge, %scan3A_202, %ge3A : i32
      %and3A = arith.andi %lt3A_209, %ge3A_210 : i1
      %convert_element_type3A = arith.extui %and3A : i1 to i32
      %cond3A = arith.constant 0 : i32
      %cond3A_211 = arith.cmpi ne, %convert_element_type3A, %cond3A : i32
      scf.if %cond3A_211 {
        %sub3A_241 = arith.constant 1 : i32
        %sub3A_242 = arith.subi %scan3A_202, %sub3A_241 : i32
        %dma_wait3A_243 = arith.constant 0 : i32
        %dma_wait3A_244 = arith.constant 0 : i32
        %dma_wait3A_245 = tpu.memref_slice %arg8[%rem3A_208, %dma_wait3A_243, %dma_wait3A_244] : memref<3x128x64xf32, #tpu.memory_space<vmem>> -> memref<1x128x64xf32, #tpu.memory_space<vmem>>
        %dma_wait3A_246 = tpu.memref_squeeze %dma_wait3A_245 : memref<1x128x64xf32, #tpu.memory_space<vmem>> -> memref<128x64xf32, #tpu.memory_space<vmem>>
        %dma_wait3A_247 = arith.constant 0 : i32
        %dma_wait3A_248 = tpu.memref_slice %arg7[%sub3A_242, %dma_wait3A_247] : memref<80x128xi32, #tpu.memory_space<vmem>> -> memref<1x128xi32, #tpu.memory_space<vmem>>
        %dma_wait3A_249 = tpu.memref_squeeze %dma_wait3A_248 : memref<1x128xi32, #tpu.memory_space<vmem>> -> memref<128xi32, #tpu.memory_space<vmem>>
        %dma_wait3A_250 = arith.constant 0 : i32
        %dma_wait3A_251 = arith.constant 0 : i32
        %dma_wait3A_252 = tpu.memref_slice %arg10[%dma_wait3A_250, %dma_wait3A_251] : memref<10240x64xf32, #tpu.memory_space<vmem_shared>> -> memref<10240x64xf32, #tpu.memory_space<vmem_shared>>
        %dma_wait3A_253 = tpu.memref_slice %arg12[%rem3A_208] : memref<3x!tpu.dma_semaphore, #tpu.memory_space<semaphore_mem>> -> memref<1x!tpu.dma_semaphore, #tpu.memory_space<semaphore_mem>>
        %dma_wait3A_254 = tpu.memref_squeeze %dma_wait3A_253 : memref<1x!tpu.dma_semaphore, #tpu.memory_space<semaphore_mem>> -> memref<!tpu.dma_semaphore, #tpu.memory_space<semaphore_mem>>
        tpu.wait_indirect_dma semaphore(%dma_wait3A_254 : memref<!tpu.dma_semaphore, #tpu.memory_space<semaphore_mem>>) src(%dma_wait3A_246 : memref<128x64xf32, #tpu.memory_space<vmem>>) dst(%dma_wait3A_252 : memref<10240x64xf32, #tpu.memory_space<vmem_shared>>)
      } else {
      }
      %lt3A_212 = arith.constant 80 : i32
      %lt3A_213 = arith.cmpi slt, %sub3A_206, %lt3A_212 : i32
      %convert_element_type3A_214 = arith.extui %lt3A_213 : i1 to i32
      %cond3A_215 = arith.constant 0 : i32
      %cond3A_216 = arith.cmpi ne, %convert_element_type3A_214, %cond3A_215 : i32
      scf.if %cond3A_216 {
        %dma_start3A_241 = arith.constant 0 : i32
        %dma_start3A_242 = arith.constant 0 : i32
        %dma_start3A_243 = tpu.memref_slice %arg8[%rem3A_208, %dma_start3A_241, %dma_start3A_242] : memref<3x128x64xf32, #tpu.memory_space<vmem>> -> memref<1x128x64xf32, #tpu.memory_space<vmem>>
        %dma_start3A_244 = tpu.memref_squeeze %dma_start3A_243 : memref<1x128x64xf32, #tpu.memory_space<vmem>> -> memref<128x64xf32, #tpu.memory_space<vmem>>
        %dma_start3A_245 = arith.constant 0 : i32
        %dma_start3A_246 = tpu.memref_slice %arg6[%sub3A_206, %dma_start3A_245] : memref<80x128xi32, #tpu.memory_space<vmem>> -> memref<1x128xi32, #tpu.memory_space<vmem>>
        %dma_start3A_247 = tpu.memref_squeeze %dma_start3A_246 : memref<1x128xi32, #tpu.memory_space<vmem>> -> memref<128xi32, #tpu.memory_space<vmem>>
        %dma_start3A_248 = arith.constant 0 : i32
        %dma_start3A_249 = arith.constant 0 : i32
        %dma_start3A_250 = tpu.memref_slice %arg9[%dma_start3A_248, %dma_start3A_249] : memref<10240x64xf32, #tpu.memory_space<vmem_shared>> -> memref<10240x64xf32, #tpu.memory_space<vmem_shared>>
        %dma_start3A_251 = tpu.memref_slice %arg11[%rem3A_208] : memref<3x!tpu.dma_semaphore, #tpu.memory_space<semaphore_mem>> -> memref<1x!tpu.dma_semaphore, #tpu.memory_space<semaphore_mem>>
        %dma_start3A_252 = tpu.memref_squeeze %dma_start3A_251 : memref<1x!tpu.dma_semaphore, #tpu.memory_space<semaphore_mem>> -> memref<!tpu.dma_semaphore, #tpu.memory_space<semaphore_mem>>
        tpu.enqueue_indirect_dma source(%dma_start3A_250 : memref<10240x64xf32, #tpu.memory_space<vmem_shared>>) target(%dma_start3A_244 : memref<128x64xf32, #tpu.memory_space<vmem>>) offsets(%dma_start3A_247 : memref<128xi32, #tpu.memory_space<vmem>>) semaphore(%dma_start3A_252 : memref<!tpu.dma_semaphore, #tpu.memory_space<semaphore_mem>>)
      } else {
      }
      %dma_wait3A_217 = arith.constant 0 : i32
      %dma_wait3A_218 = arith.constant 0 : i32
      %dma_wait3A_219 = tpu.memref_slice %arg8[%rem3A_203, %dma_wait3A_217, %dma_wait3A_218] : memref<3x128x64xf32, #tpu.memory_space<vmem>> -> memref<1x128x64xf32, #tpu.memory_space<vmem>>
      %dma_wait3A_220 = tpu.memref_squeeze %dma_wait3A_219 : memref<1x128x64xf32, #tpu.memory_space<vmem>> -> memref<128x64xf32, #tpu.memory_space<vmem>>
      %dma_wait3A_221 = arith.constant 0 : i32
      %dma_wait3A_222 = tpu.memref_slice %arg6[%scan3A_202, %dma_wait3A_221] : memref<80x128xi32, #tpu.memory_space<vmem>> -> memref<1x128xi32, #tpu.memory_space<vmem>>
      %dma_wait3A_223 = tpu.memref_squeeze %dma_wait3A_222 : memref<1x128xi32, #tpu.memory_space<vmem>> -> memref<128xi32, #tpu.memory_space<vmem>>
      %dma_wait3A_224 = arith.constant 0 : i32
      %dma_wait3A_225 = arith.constant 0 : i32
      %dma_wait3A_226 = tpu.memref_slice %arg9[%dma_wait3A_224, %dma_wait3A_225] : memref<10240x64xf32, #tpu.memory_space<vmem_shared>> -> memref<10240x64xf32, #tpu.memory_space<vmem_shared>>
      %dma_wait3A_227 = tpu.memref_slice %arg11[%rem3A_203] : memref<3x!tpu.dma_semaphore, #tpu.memory_space<semaphore_mem>> -> memref<1x!tpu.dma_semaphore, #tpu.memory_space<semaphore_mem>>
      %dma_wait3A_228 = tpu.memref_squeeze %dma_wait3A_227 : memref<1x!tpu.dma_semaphore, #tpu.memory_space<semaphore_mem>> -> memref<!tpu.dma_semaphore, #tpu.memory_space<semaphore_mem>>
      tpu.wait_indirect_dma semaphore(%dma_wait3A_228 : memref<!tpu.dma_semaphore, #tpu.memory_space<semaphore_mem>>) src(%dma_wait3A_226 : memref<10240x64xf32, #tpu.memory_space<vmem_shared>>) dst(%dma_wait3A_220 : memref<128x64xf32, #tpu.memory_space<vmem>>)
      %dma_start3A_229 = arith.constant 0 : i32
      %dma_start3A_230 = arith.constant 0 : i32
      %dma_start3A_231 = tpu.memref_slice %arg8[%rem3A_203, %dma_start3A_229, %dma_start3A_230] : memref<3x128x64xf32, #tpu.memory_space<vmem>> -> memref<1x128x64xf32, #tpu.memory_space<vmem>>
      %dma_start3A_232 = tpu.memref_squeeze %dma_start3A_231 : memref<1x128x64xf32, #tpu.memory_space<vmem>> -> memref<128x64xf32, #tpu.memory_space<vmem>>
      %dma_start3A_233 = arith.constant 0 : i32
      %dma_start3A_234 = tpu.memref_slice %arg7[%scan3A_202, %dma_start3A_233] : memref<80x128xi32, #tpu.memory_space<vmem>> -> memref<1x128xi32, #tpu.memory_space<vmem>>
      %dma_start3A_235 = tpu.memref_squeeze %dma_start3A_234 : memref<1x128xi32, #tpu.memory_space<vmem>> -> memref<128xi32, #tpu.memory_space<vmem>>
      %dma_start3A_236 = arith.constant 0 : i32
      %dma_start3A_237 = arith.constant 0 : i32
      %dma_start3A_238 = tpu.memref_slice %arg10[%dma_start3A_236, %dma_start3A_237] : memref<10240x64xf32, #tpu.memory_space<vmem_shared>> -> memref<10240x64xf32, #tpu.memory_space<vmem_shared>>
      %dma_start3A_239 = tpu.memref_slice %arg12[%rem3A_203] : memref<3x!tpu.dma_semaphore, #tpu.memory_space<semaphore_mem>> -> memref<1x!tpu.dma_semaphore, #tpu.memory_space<semaphore_mem>>
      %dma_start3A_240 = tpu.memref_squeeze %dma_start3A_239 : memref<1x!tpu.dma_semaphore, #tpu.memory_space<semaphore_mem>> -> memref<!tpu.dma_semaphore, #tpu.memory_space<semaphore_mem>>
      tpu.enqueue_indirect_dma source(%dma_start3A_232 : memref<128x64xf32, #tpu.memory_space<vmem>>) target(%dma_start3A_238 : memref<10240x64xf32, #tpu.memory_space<vmem_shared>>) offsets(%dma_start3A_235 : memref<128xi32, #tpu.memory_space<vmem>>) semaphore(%dma_start3A_240 : memref<!tpu.dma_semaphore, #tpu.memory_space<semaphore_mem>>) {add = true}
    }
    %scan3A_154 = arith.constant 80 : i32
    %dma_wait3A_155 = arith.constant 2 : i32
    %dma_wait3A_156 = arith.constant 77 : i32
    %dma_wait3A_157 = arith.constant 2 : i32
    %dma_wait3A_158 = arith.constant 0 : i32
    %dma_wait3A_159 = arith.constant 0 : i32
    %dma_wait3A_160 = tpu.memref_slice %arg8[%dma_wait3A_155, %dma_wait3A_158, %dma_wait3A_159] : memref<3x128x64xf32, #tpu.memory_space<vmem>> -> memref<1x128x64xf32, #tpu.memory_space<vmem>>
    %dma_wait3A_161 = tpu.memref_squeeze %dma_wait3A_160 : memref<1x128x64xf32, #tpu.memory_space<vmem>> -> memref<128x64xf32, #tpu.memory_space<vmem>>
    %dma_wait3A_162 = arith.constant 0 : i32
    %dma_wait3A_163 = tpu.memref_slice %arg7[%dma_wait3A_156, %dma_wait3A_162] : memref<80x128xi32, #tpu.memory_space<vmem>> -> memref<1x128xi32, #tpu.memory_space<vmem>>
    %dma_wait3A_164 = tpu.memref_squeeze %dma_wait3A_163 : memref<1x128xi32, #tpu.memory_space<vmem>> -> memref<128xi32, #tpu.memory_space<vmem>>
    %dma_wait3A_165 = arith.constant 0 : i32
    %dma_wait3A_166 = arith.constant 0 : i32
    %dma_wait3A_167 = tpu.memref_slice %arg10[%dma_wait3A_165, %dma_wait3A_166] : memref<10240x64xf32, #tpu.memory_space<vmem_shared>> -> memref<10240x64xf32, #tpu.memory_space<vmem_shared>>
    %dma_wait3A_168 = tpu.memref_slice %arg12[%dma_wait3A_157] : memref<3x!tpu.dma_semaphore, #tpu.memory_space<semaphore_mem>> -> memref<1x!tpu.dma_semaphore, #tpu.memory_space<semaphore_mem>>
    %dma_wait3A_169 = tpu.memref_squeeze %dma_wait3A_168 : memref<1x!tpu.dma_semaphore, #tpu.memory_space<semaphore_mem>> -> memref<!tpu.dma_semaphore, #tpu.memory_space<semaphore_mem>>
    tpu.wait_indirect_dma semaphore(%dma_wait3A_169 : memref<!tpu.dma_semaphore, #tpu.memory_space<semaphore_mem>>) src(%dma_wait3A_161 : memref<128x64xf32, #tpu.memory_space<vmem>>) dst(%dma_wait3A_167 : memref<10240x64xf32, #tpu.memory_space<vmem_shared>>)
    %dma_wait3A_170 = arith.constant 0 : i32
    %dma_wait3A_171 = arith.constant 78 : i32
    %dma_wait3A_172 = arith.constant 0 : i32
    %dma_wait3A_173 = arith.constant 0 : i32
    %dma_wait3A_174 = arith.constant 0 : i32
    %dma_wait3A_175 = tpu.memref_slice %arg8[%dma_wait3A_170, %dma_wait3A_173, %dma_wait3A_174] : memref<3x128x64xf32, #tpu.memory_space<vmem>> -> memref<1x128x64xf32, #tpu.memory_space<vmem>>
    %dma_wait3A_176 = tpu.memref_squeeze %dma_wait3A_175 : memref<1x128x64xf32, #tpu.memory_space<vmem>> -> memref<128x64xf32, #tpu.memory_space<vmem>>
    %dma_wait3A_177 = arith.constant 0 : i32
    %dma_wait3A_178 = tpu.memref_slice %arg7[%dma_wait3A_171, %dma_wait3A_177] : memref<80x128xi32, #tpu.memory_space<vmem>> -> memref<1x128xi32, #tpu.memory_space<vmem>>
    %dma_wait3A_179 = tpu.memref_squeeze %dma_wait3A_178 : memref<1x128xi32, #tpu.memory_space<vmem>> -> memref<128xi32, #tpu.memory_space<vmem>>
    %dma_wait3A_180 = arith.constant 0 : i32
    %dma_wait3A_181 = arith.constant 0 : i32
    %dma_wait3A_182 = tpu.memref_slice %arg10[%dma_wait3A_180, %dma_wait3A_181] : memref<10240x64xf32, #tpu.memory_space<vmem_shared>> -> memref<10240x64xf32, #tpu.memory_space<vmem_shared>>
    %dma_wait3A_183 = tpu.memref_slice %arg12[%dma_wait3A_172] : memref<3x!tpu.dma_semaphore, #tpu.memory_space<semaphore_mem>> -> memref<1x!tpu.dma_semaphore, #tpu.memory_space<semaphore_mem>>
    %dma_wait3A_184 = tpu.memref_squeeze %dma_wait3A_183 : memref<1x!tpu.dma_semaphore, #tpu.memory_space<semaphore_mem>> -> memref<!tpu.dma_semaphore, #tpu.memory_space<semaphore_mem>>
    tpu.wait_indirect_dma semaphore(%dma_wait3A_184 : memref<!tpu.dma_semaphore, #tpu.memory_space<semaphore_mem>>) src(%dma_wait3A_176 : memref<128x64xf32, #tpu.memory_space<vmem>>) dst(%dma_wait3A_182 : memref<10240x64xf32, #tpu.memory_space<vmem_shared>>)
    %dma_wait3A_185 = arith.constant 1 : i32
    %dma_wait3A_186 = arith.constant 79 : i32
    %dma_wait3A_187 = arith.constant 1 : i32
    %dma_wait3A_188 = arith.constant 0 : i32
    %dma_wait3A_189 = arith.constant 0 : i32
    %dma_wait3A_190 = tpu.memref_slice %arg8[%dma_wait3A_185, %dma_wait3A_188, %dma_wait3A_189] : memref<3x128x64xf32, #tpu.memory_space<vmem>> -> memref<1x128x64xf32, #tpu.memory_space<vmem>>
    %dma_wait3A_191 = tpu.memref_squeeze %dma_wait3A_190 : memref<1x128x64xf32, #tpu.memory_space<vmem>> -> memref<128x64xf32, #tpu.memory_space<vmem>>
    %dma_wait3A_192 = arith.constant 0 : i32
    %dma_wait3A_193 = tpu.memref_slice %arg7[%dma_wait3A_186, %dma_wait3A_192] : memref<80x128xi32, #tpu.memory_space<vmem>> -> memref<1x128xi32, #tpu.memory_space<vmem>>
    %dma_wait3A_194 = tpu.memref_squeeze %dma_wait3A_193 : memref<1x128xi32, #tpu.memory_space<vmem>> -> memref<128xi32, #tpu.memory_space<vmem>>
    %dma_wait3A_195 = arith.constant 0 : i32
    %dma_wait3A_196 = arith.constant 0 : i32
    %dma_wait3A_197 = tpu.memref_slice %arg10[%dma_wait3A_195, %dma_wait3A_196] : memref<10240x64xf32, #tpu.memory_space<vmem_shared>> -> memref<10240x64xf32, #tpu.memory_space<vmem_shared>>
    %dma_wait3A_198 = tpu.memref_slice %arg12[%dma_wait3A_187] : memref<3x!tpu.dma_semaphore, #tpu.memory_space<semaphore_mem>> -> memref<1x!tpu.dma_semaphore, #tpu.memory_space<semaphore_mem>>
    %dma_wait3A_199 = tpu.memref_squeeze %dma_wait3A_198 : memref<1x!tpu.dma_semaphore, #tpu.memory_space<semaphore_mem>> -> memref<!tpu.dma_semaphore, #tpu.memory_space<semaphore_mem>>
    tpu.wait_indirect_dma semaphore(%dma_wait3A_199 : memref<!tpu.dma_semaphore, #tpu.memory_space<semaphore_mem>>) src(%dma_wait3A_191 : memref<128x64xf32, #tpu.memory_space<vmem>>) dst(%dma_wait3A_197 : memref<10240x64xf32, #tpu.memory_space<vmem_shared>>)
    %barrier3A_200 = arith.constant 0 : index
    tpu.barrier barrier_id(%barrier3A_200)
    "tpu.region"() ({
      %run_scoped3A_202 = tpu.sem_alloc : memref<!tpu.dma_semaphore, #tpu.memory_space<semaphore_mem>>
      %dma_start3A_203 = arith.constant 64 : i32
      %dma_start3A_204 = tpu.memref_slice %arg5[%arg0, %mul3A_0, %dma_start3A_203] : memref<2x10240x128xf32, #tpu.memory_space<hbm>> -> memref<1x640x64xf32, #tpu.memory_space<hbm>>
      %dma_start3A_205 = tpu.memref_squeeze %dma_start3A_204 : memref<1x640x64xf32, #tpu.memory_space<hbm>> -> memref<640x64xf32, #tpu.memory_space<hbm>>
      %dma_start3A_206 = arith.constant 0 : i32
      %dma_start3A_207 = tpu.memref_slice %arg10[%mul3A_0, %dma_start3A_206] : memref<10240x64xf32, #tpu.memory_space<vmem_shared>> -> memref<640x64xf32, #tpu.memory_space<vmem_shared>>
      tpu.enqueue_dma source(%dma_start3A_207 : memref<640x64xf32, #tpu.memory_space<vmem_shared>>) target(%dma_start3A_205 : memref<640x64xf32, #tpu.memory_space<hbm>>) target_semaphore(%run_scoped3A_202 : memref<!tpu.dma_semaphore, #tpu.memory_space<semaphore_mem>>)
      %dma_wait3A_208 = arith.constant 64 : i32
      %dma_wait3A_209 = tpu.memref_slice %arg5[%arg0, %mul3A_0, %dma_wait3A_208] : memref<2x10240x128xf32, #tpu.memory_space<hbm>> -> memref<1x640x64xf32, #tpu.memory_space<hbm>>
      %dma_wait3A_210 = tpu.memref_squeeze %dma_wait3A_209 : memref<1x640x64xf32, #tpu.memory_space<hbm>> -> memref<640x64xf32, #tpu.memory_space<hbm>>
      %dma_wait3A_211 = arith.constant 0 : i32
      %dma_wait3A_212 = tpu.memref_slice %arg10[%mul3A_0, %dma_wait3A_211] : memref<10240x64xf32, #tpu.memory_space<vmem_shared>> -> memref<640x64xf32, #tpu.memory_space<vmem_shared>>
      tpu.wait_dma2 semaphore(%run_scoped3A_202 : memref<!tpu.dma_semaphore, #tpu.memory_space<semaphore_mem>>) src(%dma_wait3A_212 : memref<640x64xf32, #tpu.memory_space<vmem_shared>>) dst(%dma_wait3A_210 : memref<640x64xf32, #tpu.memory_space<hbm>>)
      tpu.yield
    }) : () -> ()
    %barrier3A_201 = arith.constant 0 : index
    tpu.barrier barrier_id(%barrier3A_201)
    return
  }
}

#map = affine_map<(d0, d1) -> (0, 0)>
#map1 = affine_map<(d0, d1) -> (0)>
module attributes {stable_mosaic.version = 14 : i64} {
  func.func @_sc_deg(%arg0: i32, %arg1: i32, %arg2: memref<16x10240xi32, #tpu.memory_space<hbm>>, %arg3: memref<10240xf32, #tpu.memory_space<hbm>>, %arg4: memref<10240xi32, #tpu.memory_space<vmem>>, %arg5: memref<10240xf32, #tpu.memory_space<vmem>>, %arg6: memref<640xf32, #tpu.memory_space<vmem>>, %arg7: memref<640xf32, #tpu.memory_space<vmem>>, %arg8: memref<16x10240xf32, #tpu.memory_space<vmem_shared>>) attributes {dimension_semantics = [#tpu.dimension_semantics<core_parallel>, #tpu.dimension_semantics<subcore_parallel>], iteration_bounds = array<i64: 2, 16>, scalar_prefetch = 0 : i64, scratch_operands = 5 : i64, tpu.core_type = #tpu.core_type<sc_vector_subcore>, window_params = [{transform_indices = #map}, {transform_indices = #map1}]} {
    "tpu.region"() ({
      %run_scoped3A_23 = tpu.sem_alloc : memref<!tpu.dma_semaphore, #tpu.memory_space<semaphore_mem>>
      %dma_start3A = arith.constant 0 : i32
      %dma_start3A_24 = tpu.memref_slice %arg2[%arg1, %dma_start3A] : memref<16x10240xi32, #tpu.memory_space<hbm>> -> memref<1x10240xi32, #tpu.memory_space<hbm>>
      %dma_start3A_25 = tpu.memref_squeeze %dma_start3A_24 : memref<1x10240xi32, #tpu.memory_space<hbm>> -> memref<10240xi32, #tpu.memory_space<hbm>>
      %dma_start3A_26 = arith.constant 0 : i32
      %dma_start3A_27 = tpu.memref_slice %arg2[%arg1, %dma_start3A_26] : memref<16x10240xi32, #tpu.memory_space<hbm>> -> memref<1x10240xi32, #tpu.memory_space<hbm>>
      %dma_start3A_28 = tpu.memref_squeeze %dma_start3A_27 : memref<1x10240xi32, #tpu.memory_space<hbm>> -> memref<10240xi32, #tpu.memory_space<hbm>>
      tpu.enqueue_dma source(%dma_start3A_28 : memref<10240xi32, #tpu.memory_space<hbm>>) target(%arg4 : memref<10240xi32, #tpu.memory_space<vmem>>) target_semaphore(%run_scoped3A_23 : memref<!tpu.dma_semaphore, #tpu.memory_space<semaphore_mem>>)
      %dma_wait3A = arith.constant 0 : i32
      %dma_wait3A_29 = tpu.memref_slice %arg2[%arg1, %dma_wait3A] : memref<16x10240xi32, #tpu.memory_space<hbm>> -> memref<1x10240xi32, #tpu.memory_space<hbm>>
      %dma_wait3A_30 = tpu.memref_squeeze %dma_wait3A_29 : memref<1x10240xi32, #tpu.memory_space<hbm>> -> memref<10240xi32, #tpu.memory_space<hbm>>
      %dma_wait3A_31 = arith.constant 0 : i32
      %dma_wait3A_32 = tpu.memref_slice %arg2[%arg1, %dma_wait3A_31] : memref<16x10240xi32, #tpu.memory_space<hbm>> -> memref<1x10240xi32, #tpu.memory_space<hbm>>
      %dma_wait3A_33 = tpu.memref_squeeze %dma_wait3A_32 : memref<1x10240xi32, #tpu.memory_space<hbm>> -> memref<10240xi32, #tpu.memory_space<hbm>>
      tpu.wait_dma2 semaphore(%run_scoped3A_23 : memref<!tpu.dma_semaphore, #tpu.memory_space<semaphore_mem>>) src(%dma_wait3A_33 : memref<10240xi32, #tpu.memory_space<hbm>>) dst(%arg4 : memref<10240xi32, #tpu.memory_space<vmem>>)
      tpu.yield
    }) : () -> ()
    %broadcast_in_dim3A = arith.constant 0.000000e+00 : f32
    %broadcast_in_dim3A_0 = vector.broadcast %broadcast_in_dim3A : f32 to vector<16xf32>
    %scan3A = arith.constant 0 : i32
    %scan3A_1 = arith.constant 640 : i32
    %scan3A_2 = arith.addi %scan3A, %scan3A_1 : i32
    %scan3A_3 = arith.constant 1 : i32
    scf.for %scan3A_23 = %scan3A to %scan3A_2 step %scan3A_3  : i32 {
      %mul3A_24 = arith.constant 16 : i32
      %mul3A_25 = arith.muli %scan3A_23, %mul3A_24 : i32
      %swap3A = arith.index_cast %mul3A_25 : i32 to index
      %swap3A_26 = tpu.vector_load %arg5[%swap3A] {strides = array<i32>} : memref<10240xf32, #tpu.memory_space<vmem>>, vector<16xf32>,
      tpu.vector_store %arg5[%swap3A], %broadcast_in_dim3A_0 {strides = array<i32>} : memref<10240xf32, #tpu.memory_space<vmem>>, vector<16xf32>,
    }
    %scan3A_4 = arith.constant 640 : i32
    %broadcast_in_dim3A_5 = arith.constant 1.000000e+00 : f32
    %broadcast_in_dim3A_6 = vector.broadcast %broadcast_in_dim3A_5 : f32 to vector<16xf32>
    %scan3A_7 = arith.constant 0 : i32
    %scan3A_8 = arith.constant 640 : i32
    %scan3A_9 = arith.addi %scan3A_7, %scan3A_8 : i32
    %scan3A_10 = arith.constant 1 : i32
    scf.for %scan3A_23 = %scan3A_7 to %scan3A_9 step %scan3A_10  : i32 {
      %mul3A_24 = arith.constant 16 : i32
      %mul3A_25 = arith.muli %scan3A_23, %mul3A_24 : i32
      %get3A = arith.index_cast %mul3A_25 : i32 to index
      %get3A_26 = tpu.vector_load %arg4[%get3A] {strides = array<i32>} : memref<10240xi32, #tpu.memory_space<vmem>>, vector<16xi32>,
      tpu.vector_store_idx %arg5[%get3A_26], %broadcast_in_dim3A_6 {add = true} : memref<10240xf32, #tpu.memory_space<vmem>>[vector<16xi32>], vector<16xf32>,
    }
    %scan3A_11 = arith.constant 640 : i32
    "tpu.region"() ({
      %run_scoped3A_23 = tpu.sem_alloc : memref<!tpu.dma_semaphore, #tpu.memory_space<semaphore_mem>>
      %dma_start3A = arith.constant 0 : i32
      %dma_start3A_24 = tpu.memref_slice %arg8[%arg1, %dma_start3A] : memref<16x10240xf32, #tpu.memory_space<vmem_shared>> -> memref<1x10240xf32, #tpu.memory_space<vmem_shared>>
      %dma_start3A_25 = tpu.memref_squeeze %dma_start3A_24 : memref<1x10240xf32, #tpu.memory_space<vmem_shared>> -> memref<10240xf32, #tpu.memory_space<vmem_shared>>
      %dma_start3A_26 = arith.constant 0 : i32
      %dma_start3A_27 = tpu.memref_slice %arg8[%arg1, %dma_start3A_26] : memref<16x10240xf32, #tpu.memory_space<vmem_shared>> -> memref<1x10240xf32, #tpu.memory_space<vmem_shared>>
      %dma_start3A_28 = tpu.memref_squeeze %dma_start3A_27 : memref<1x10240xf32, #tpu.memory_space<vmem_shared>> -> memref<10240xf32, #tpu.memory_space<vmem_shared>>
      tpu.enqueue_dma source(%arg5 : memref<10240xf32, #tpu.memory_space<vmem>>) target(%dma_start3A_28 : memref<10240xf32, #tpu.memory_space<vmem_shared>>) target_semaphore(%run_scoped3A_23 : memref<!tpu.dma_semaphore, #tpu.memory_space<semaphore_mem>>)
      %dma_wait3A = arith.constant 0 : i32
      %dma_wait3A_29 = tpu.memref_slice %arg8[%arg1, %dma_wait3A] : memref<16x10240xf32, #tpu.memory_space<vmem_shared>> -> memref<1x10240xf32, #tpu.memory_space<vmem_shared>>
      %dma_wait3A_30 = tpu.memref_squeeze %dma_wait3A_29 : memref<1x10240xf32, #tpu.memory_space<vmem_shared>> -> memref<10240xf32, #tpu.memory_space<vmem_shared>>
      %dma_wait3A_31 = arith.constant 0 : i32
      %dma_wait3A_32 = tpu.memref_slice %arg8[%arg1, %dma_wait3A_31] : memref<16x10240xf32, #tpu.memory_space<vmem_shared>> -> memref<1x10240xf32, #tpu.memory_space<vmem_shared>>
      %dma_wait3A_33 = tpu.memref_squeeze %dma_wait3A_32 : memref<1x10240xf32, #tpu.memory_space<vmem_shared>> -> memref<10240xf32, #tpu.memory_space<vmem_shared>>
      tpu.wait_dma2 semaphore(%run_scoped3A_23 : memref<!tpu.dma_semaphore, #tpu.memory_space<semaphore_mem>>) src(%arg5 : memref<10240xf32, #tpu.memory_space<vmem>>) dst(%dma_wait3A_33 : memref<10240xf32, #tpu.memory_space<vmem_shared>>)
      tpu.yield
    }) : () -> ()
    %barrier3A = arith.constant 0 : index
    tpu.barrier barrier_id(%barrier3A)
    %mul3A = arith.constant 640 : i32
    %mul3A_12 = arith.muli %arg1, %mul3A : i32
    %run_scoped3A = arith.constant 0 : i32
    "tpu.region"() ({
      %run_scoped3A_23 = tpu.sem_alloc : memref<!tpu.dma_semaphore, #tpu.memory_space<semaphore_mem>>
      %dma_start3A = tpu.memref_slice %arg8[%run_scoped3A, %mul3A_12] : memref<16x10240xf32, #tpu.memory_space<vmem_shared>> -> memref<1x640xf32, #tpu.memory_space<vmem_shared>>
      %dma_start3A_24 = tpu.memref_squeeze %dma_start3A : memref<1x640xf32, #tpu.memory_space<vmem_shared>> -> memref<640xf32, #tpu.memory_space<vmem_shared>>
      %dma_start3A_25 = tpu.memref_slice %arg8[%run_scoped3A, %mul3A_12] : memref<16x10240xf32, #tpu.memory_space<vmem_shared>> -> memref<1x640xf32, #tpu.memory_space<vmem_shared>>
      %dma_start3A_26 = tpu.memref_squeeze %dma_start3A_25 : memref<1x640xf32, #tpu.memory_space<vmem_shared>> -> memref<640xf32, #tpu.memory_space<vmem_shared>>
      tpu.enqueue_dma source(%dma_start3A_26 : memref<640xf32, #tpu.memory_space<vmem_shared>>) target(%arg6 : memref<640xf32, #tpu.memory_space<vmem>>) target_semaphore(%run_scoped3A_23 : memref<!tpu.dma_semaphore, #tpu.memory_space<semaphore_mem>>)
      %dma_wait3A = tpu.memref_slice %arg8[%run_scoped3A, %mul3A_12] : memref<16x10240xf32, #tpu.memory_space<vmem_shared>> -> memref<1x640xf32, #tpu.memory_space<vmem_shared>>
      %dma_wait3A_27 = tpu.memref_squeeze %dma_wait3A : memref<1x640xf32, #tpu.memory_space<vmem_shared>> -> memref<640xf32, #tpu.memory_space<vmem_shared>>
      %dma_wait3A_28 = tpu.memref_slice %arg8[%run_scoped3A, %mul3A_12] : memref<16x10240xf32, #tpu.memory_space<vmem_shared>> -> memref<1x640xf32, #tpu.memory_space<vmem_shared>>
      %dma_wait3A_29 = tpu.memref_squeeze %dma_wait3A_28 : memref<1x640xf32, #tpu.memory_space<vmem_shared>> -> memref<640xf32, #tpu.memory_space<vmem_shared>>
      tpu.wait_dma2 semaphore(%run_scoped3A_23 : memref<!tpu.dma_semaphore, #tpu.memory_space<semaphore_mem>>) src(%dma_wait3A_29 : memref<640xf32, #tpu.memory_space<vmem_shared>>) dst(%arg6 : memref<640xf32, #tpu.memory_space<vmem>>)
      tpu.yield
    }) : () -> ()
    %scan3A_13 = arith.constant 1 : i32
    %scan3A_14 = arith.constant 15 : i32
    %scan3A_15 = arith.addi %scan3A_13, %scan3A_14 : i32
    %scan3A_16 = arith.constant 1 : i32
    scf.for %scan3A_23 = %scan3A_13 to %scan3A_15 step %scan3A_16  : i32 {
      "tpu.region"() ({
        %run_scoped3A_29 = tpu.sem_alloc : memref<!tpu.dma_semaphore, #tpu.memory_space<semaphore_mem>>
        %dma_start3A = tpu.memref_slice %arg8[%scan3A_23, %mul3A_12] : memref<16x10240xf32, #tpu.memory_space<vmem_shared>> -> memref<1x640xf32, #tpu.memory_space<vmem_shared>>
        %dma_start3A_30 = tpu.memref_squeeze %dma_start3A : memref<1x640xf32, #tpu.memory_space<vmem_shared>> -> memref<640xf32, #tpu.memory_space<vmem_shared>>
        %dma_start3A_31 = tpu.memref_slice %arg8[%scan3A_23, %mul3A_12] : memref<16x10240xf32, #tpu.memory_space<vmem_shared>> -> memref<1x640xf32, #tpu.memory_space<vmem_shared>>
        %dma_start3A_32 = tpu.memref_squeeze %dma_start3A_31 : memref<1x640xf32, #tpu.memory_space<vmem_shared>> -> memref<640xf32, #tpu.memory_space<vmem_shared>>
        tpu.enqueue_dma source(%dma_start3A_32 : memref<640xf32, #tpu.memory_space<vmem_shared>>) target(%arg7 : memref<640xf32, #tpu.memory_space<vmem>>) target_semaphore(%run_scoped3A_29 : memref<!tpu.dma_semaphore, #tpu.memory_space<semaphore_mem>>)
        %dma_wait3A = tpu.memref_slice %arg8[%scan3A_23, %mul3A_12] : memref<16x10240xf32, #tpu.memory_space<vmem_shared>> -> memref<1x640xf32, #tpu.memory_space<vmem_shared>>
        %dma_wait3A_33 = tpu.memref_squeeze %dma_wait3A : memref<1x640xf32, #tpu.memory_space<vmem_shared>> -> memref<640xf32, #tpu.memory_space<vmem_shared>>
        %dma_wait3A_34 = tpu.memref_slice %arg8[%scan3A_23, %mul3A_12] : memref<16x10240xf32, #tpu.memory_space<vmem_shared>> -> memref<1x640xf32, #tpu.memory_space<vmem_shared>>
        %dma_wait3A_35 = tpu.memref_squeeze %dma_wait3A_34 : memref<1x640xf32, #tpu.memory_space<vmem_shared>> -> memref<640xf32, #tpu.memory_space<vmem_shared>>
        tpu.wait_dma2 semaphore(%run_scoped3A_29 : memref<!tpu.dma_semaphore, #tpu.memory_space<semaphore_mem>>) src(%dma_wait3A_35 : memref<640xf32, #tpu.memory_space<vmem_shared>>) dst(%arg7 : memref<640xf32, #tpu.memory_space<vmem>>)
        tpu.yield
      }) : () -> ()
      %scan3A_24 = arith.constant 0 : i32
      %scan3A_25 = arith.constant 40 : i32
      %scan3A_26 = arith.addi %scan3A_24, %scan3A_25 : i32
      %scan3A_27 = arith.constant 1 : i32
      scf.for %scan3A_29 = %scan3A_24 to %scan3A_26 step %scan3A_27  : i32 {
        %mul3A_30 = arith.constant 16 : i32
        %mul3A_31 = arith.muli %scan3A_29, %mul3A_30 : i32
        %get3A = arith.index_cast %mul3A_31 : i32 to index
        %get3A_32 = tpu.vector_load %arg6[%get3A] {strides = array<i32>} : memref<640xf32, #tpu.memory_space<vmem>>, vector<16xf32>,
        %get3A_33 = arith.index_cast %mul3A_31 : i32 to index
        %get3A_34 = tpu.vector_load %arg7[%get3A_33] {strides = array<i32>} : memref<640xf32, #tpu.memory_space<vmem>>, vector<16xf32>,
        %add3A = arith.addf %get3A_32, %get3A_34 : vector<16xf32>
        %swap3A = arith.index_cast %mul3A_31 : i32 to index
        %swap3A_35 = tpu.vector_load %arg6[%swap3A] {strides = array<i32>} : memref<640xf32, #tpu.memory_space<vmem>>, vector<16xf32>,
        tpu.vector_store %arg6[%swap3A], %add3A {strides = array<i32>} : memref<640xf32, #tpu.memory_space<vmem>>, vector<16xf32>,
      }
      %scan3A_28 = arith.constant 40 : i32
    }
    %scan3A_17 = arith.constant 15 : i32
    %scan3A_18 = arith.constant 0 : i32
    %scan3A_19 = arith.constant 40 : i32
    %scan3A_20 = arith.addi %scan3A_18, %scan3A_19 : i32
    %scan3A_21 = arith.constant 1 : i32
    scf.for %scan3A_23 = %scan3A_18 to %scan3A_20 step %scan3A_21  : i32 {
      %mul3A_24 = arith.constant 16 : i32
      %mul3A_25 = arith.muli %scan3A_23, %mul3A_24 : i32
      %get3A = arith.index_cast %mul3A_25 : i32 to index
      %get3A_26 = tpu.vector_load %arg6[%get3A] {strides = array<i32>} : memref<640xf32, #tpu.memory_space<vmem>>, vector<16xf32>,
      %bitcast3A = vector.bitcast %get3A_26 : vector<16xf32> to vector<16xi32>
      %shift_right_logical3A = arith.constant 1 : i32
      %shift_right_logical3A_27 = vector.broadcast %shift_right_logical3A : i32 to vector<16xi32>
      %shift_right_logical3A_28 = arith.shrui %bitcast3A, %shift_right_logical3A_27 : vector<16xi32>
      %sub3A = arith.constant 1597463007 : i32
      %sub3A_29 = vector.broadcast %sub3A : i32 to vector<16xi32>
      %sub3A_30 = arith.subi %sub3A_29, %shift_right_logical3A_28 : vector<16xi32>
      %bitcast3A_31 = vector.bitcast %sub3A_30 : vector<16xi32> to vector<16xf32>
      %mul3A_32 = arith.constant 5.000000e-01 : f32
      %mul3A_33 = vector.broadcast %mul3A_32 : f32 to vector<16xf32>
      %mul3A_34 = arith.mulf %mul3A_33, %get3A_26 : vector<16xf32>
      %mul3A_35 = arith.mulf %mul3A_34, %bitcast3A_31 : vector<16xf32>
      %mul3A_36 = arith.mulf %mul3A_35, %bitcast3A_31 : vector<16xf32>
      %sub3A_37 = arith.constant 1.500000e+00 : f32
      %sub3A_38 = vector.broadcast %sub3A_37 : f32 to vector<16xf32>
      %sub3A_39 = arith.subf %sub3A_38, %mul3A_36 : vector<16xf32>
      %mul3A_40 = arith.mulf %bitcast3A_31, %sub3A_39 : vector<16xf32>
      %mul3A_41 = arith.constant 5.000000e-01 : f32
      %mul3A_42 = vector.broadcast %mul3A_41 : f32 to vector<16xf32>
      %mul3A_43 = arith.mulf %mul3A_42, %get3A_26 : vector<16xf32>
      %mul3A_44 = arith.mulf %mul3A_43, %mul3A_40 : vector<16xf32>
      %mul3A_45 = arith.mulf %mul3A_44, %mul3A_40 : vector<16xf32>
      %sub3A_46 = arith.constant 1.500000e+00 : f32
      %sub3A_47 = vector.broadcast %sub3A_46 : f32 to vector<16xf32>
      %sub3A_48 = arith.subf %sub3A_47, %mul3A_45 : vector<16xf32>
      %mul3A_49 = arith.mulf %mul3A_40, %sub3A_48 : vector<16xf32>
      %mul3A_50 = arith.constant 5.000000e-01 : f32
      %mul3A_51 = vector.broadcast %mul3A_50 : f32 to vector<16xf32>
      %mul3A_52 = arith.mulf %mul3A_51, %get3A_26 : vector<16xf32>
      %mul3A_53 = arith.mulf %mul3A_52, %mul3A_49 : vector<16xf32>
      %mul3A_54 = arith.mulf %mul3A_53, %mul3A_49 : vector<16xf32>
      %sub3A_55 = arith.constant 1.500000e+00 : f32
      %sub3A_56 = vector.broadcast %sub3A_55 : f32 to vector<16xf32>
      %sub3A_57 = arith.subf %sub3A_56, %mul3A_54 : vector<16xf32>
      %mul3A_58 = arith.mulf %mul3A_49, %sub3A_57 : vector<16xf32>
      %gt3A = arith.constant 5.000000e-01 : f32
      %gt3A_59 = vector.broadcast %gt3A : f32 to vector<16xf32>
      %gt3A_60 = arith.cmpf ogt, %get3A_26, %gt3A_59 : vector<16xf32>
      %jit3A = arith.constant 0.000000e+00 : f32
      %broadcast_in_dim3A_61 = vector.broadcast %jit3A : f32 to vector<16xf32>
      %select_n3A = arith.select %gt3A_60, %mul3A_58, %broadcast_in_dim3A_61 : vector<16xi1>, vector<16xf32>
      %swap3A = arith.index_cast %mul3A_25 : i32 to index
      %swap3A_62 = tpu.vector_load %arg6[%swap3A] {strides = array<i32>} : memref<640xf32, #tpu.memory_space<vmem>>, vector<16xf32>,
      tpu.vector_store %arg6[%swap3A], %select_n3A {strides = array<i32>} : memref<640xf32, #tpu.memory_space<vmem>>, vector<16xf32>,
    }
    %scan3A_22 = arith.constant 40 : i32
    "tpu.region"() ({
      %run_scoped3A_23 = tpu.sem_alloc : memref<!tpu.dma_semaphore, #tpu.memory_space<semaphore_mem>>
      %dma_start3A = tpu.memref_slice %arg3[%mul3A_12] : memref<10240xf32, #tpu.memory_space<hbm>> -> memref<640xf32, #tpu.memory_space<hbm>>
      %dma_start3A_24 = tpu.memref_slice %arg3[%mul3A_12] : memref<10240xf32, #tpu.memory_space<hbm>> -> memref<640xf32, #tpu.memory_space<hbm>>
      tpu.enqueue_dma source(%arg6 : memref<640xf32, #tpu.memory_space<vmem>>) target(%dma_start3A_24 : memref<640xf32, #tpu.memory_space<hbm>>) target_semaphore(%run_scoped3A_23 : memref<!tpu.dma_semaphore, #tpu.memory_space<semaphore_mem>>)
      %dma_wait3A = tpu.memref_slice %arg3[%mul3A_12] : memref<10240xf32, #tpu.memory_space<hbm>> -> memref<640xf32, #tpu.memory_space<hbm>>
      %dma_wait3A_25 = tpu.memref_slice %arg3[%mul3A_12] : memref<10240xf32, #tpu.memory_space<hbm>> -> memref<640xf32, #tpu.memory_space<hbm>>
      tpu.wait_dma2 semaphore(%run_scoped3A_23 : memref<!tpu.dma_semaphore, #tpu.memory_space<semaphore_mem>>) src(%arg6 : memref<640xf32, #tpu.memory_space<vmem>>) dst(%dma_wait3A_25 : memref<640xf32, #tpu.memory_space<hbm>>)
      tpu.yield
    }) : () -> ()
    return
  }
}

module attributes {stable_mosaic.version = 14 : i64} {
  func.func @_dense_body(%arg0: i32, %arg1: memref<512x512xf32, #tpu.memory_space<vmem>>, %arg2: memref<1024x512xf32, #tpu.memory_space<vmem>>, %arg3: memref<1x1024xf32, #tpu.memory_space<vmem>>, %arg4: memref<256x1024xf32, #tpu.memory_space<vmem>>, %arg5: memref<1x256xf32, #tpu.memory_space<vmem>>, %arg6: memref<256x256xf32, #tpu.memory_space<vmem>>, %arg7: memref<256x256xf32, #tpu.memory_space<vmem>>, %arg8: memref<1x256xf32, #tpu.memory_space<vmem>>, %arg9: memref<512x256xf32, #tpu.memory_space<vmem>>, %arg10: memref<512x256xf32, #tpu.memory_space<vmem>>) attributes {dimension_semantics = [#tpu.dimension_semantics<arbitrary>], iteration_bounds = array<i64: 20>, scalar_prefetch = 0 : i64, scratch_operands = 0 : i64, tpu.core_type = #tpu.core_type<tc>, window_params = [{transform_indices = @transform_0, window_bounds = array<i64: 512, 512>}, {pipeline_mode = #tpu.pipeline_mode<synchronous>, transform_indices = @transform_1, window_bounds = array<i64: 1024, 512>}, {pipeline_mode = #tpu.pipeline_mode<synchronous>, transform_indices = @transform_2, window_bounds = array<i64: 1, 1024>}, {pipeline_mode = #tpu.pipeline_mode<synchronous>, transform_indices = @transform_3, window_bounds = array<i64: 256, 1024>}, {pipeline_mode = #tpu.pipeline_mode<synchronous>, transform_indices = @transform_4, window_bounds = array<i64: 1, 256>}, {pipeline_mode = #tpu.pipeline_mode<synchronous>, transform_indices = @transform_5, window_bounds = array<i64: 256, 256>}, {pipeline_mode = #tpu.pipeline_mode<synchronous>, transform_indices = @transform_6, window_bounds = array<i64: 256, 256>}, {pipeline_mode = #tpu.pipeline_mode<synchronous>, transform_indices = @transform_7, window_bounds = array<i64: 1, 256>}, {transform_indices = @transform_8, window_bounds = array<i64: 512, 256>}, {transform_indices = @transform_9, window_bounds = array<i64: 512, 256>}]} {
    %get3A = arith.constant 0 : index
    %get3A_0 = arith.constant 0 : index
    %get3A_1 = vector.load %arg1[%get3A, %get3A_0] : memref<512x512xf32, #tpu.memory_space<vmem>>, vector<512x512xf32>
    %get3A_2 = arith.constant 0 : index
    %get3A_3 = arith.constant 0 : index
    %get3A_4 = vector.load %arg2[%get3A_2, %get3A_3] : memref<1024x512xf32, #tpu.memory_space<vmem>>, vector<1024x512xf32>
    %dot_general3A = arith.constant dense<0.000000e+00> : vector<512x1024xf32>
    %dot_general3A_5 = tpu.matmul %get3A_1, %get3A_4, %dot_general3A {dimension_numbers = #tpu.dot_dimension_numbers<[1], [1], [0], [0], [0, 0, 1, 0], [], []>, transpose_lhs_hint = false} : vector<512x512xf32>, vector<1024x512xf32>, vector<512x1024xf32> -> vector<512x1024xf32>
    %get3A_6 = arith.constant 0 : index
    %get3A_7 = arith.constant 0 : index
    %get3A_8 = vector.load %arg3[%get3A_6, %get3A_7] : memref<1x1024xf32, #tpu.memory_space<vmem>>, vector<1x1024xf32>
    %add3A = vector.broadcast %get3A_8 : vector<1x1024xf32> to vector<512x1024xf32>
    %add3A_9 = arith.addf %dot_general3A_5, %add3A : vector<512x1024xf32>
    %max3A = arith.constant 0.000000e+00 : f32
    %max3A_10 = vector.broadcast %max3A : f32 to vector<512x1024xf32>
    %max3A_11 = arith.maximumf %add3A_9, %max3A_10 : vector<512x1024xf32>
    %get3A_12 = arith.constant 0 : index
    %get3A_13 = arith.constant 0 : index
    %get3A_14 = vector.load %arg4[%get3A_12, %get3A_13] : memref<256x1024xf32, #tpu.memory_space<vmem>>, vector<256x1024xf32>
    %dot_general3A_15 = arith.constant dense<0.000000e+00> : vector<512x256xf32>
    %dot_general3A_16 = tpu.matmul %max3A_11, %get3A_14, %dot_general3A_15 {dimension_numbers = #tpu.dot_dimension_numbers<[1], [1], [0], [0], [0, 0, 1, 0], [], []>, transpose_lhs_hint = false} : vector<512x1024xf32>, vector<256x1024xf32>, vector<512x256xf32> -> vector<512x256xf32>
    %get3A_17 = arith.constant 0 : index
    %get3A_18 = arith.constant 0 : index
    %get3A_19 = vector.load %arg5[%get3A_17, %get3A_18] : memref<1x256xf32, #tpu.memory_space<vmem>>, vector<1x256xf32>
    %add3A_20 = vector.broadcast %get3A_19 : vector<1x256xf32> to vector<512x256xf32>
    %add3A_21 = arith.addf %dot_general3A_16, %add3A_20 : vector<512x256xf32>
    %max3A_22 = arith.constant 0.000000e+00 : f32
    %max3A_23 = vector.broadcast %max3A_22 : f32 to vector<512x256xf32>
    %max3A_24 = arith.maximumf %add3A_21, %max3A_23 : vector<512x256xf32>
    %get3A_25 = arith.constant 0 : index
    %get3A_26 = arith.constant 0 : index
    %get3A_27 = vector.load %arg6[%get3A_25, %get3A_26] : memref<256x256xf32, #tpu.memory_space<vmem>>, vector<256x256xf32>
    %dot_general3A_28 = arith.constant dense<0.000000e+00> : vector<512x256xf32>
    %dot_general3A_29 = tpu.matmul %max3A_24, %get3A_27, %dot_general3A_28 {dimension_numbers = #tpu.dot_dimension_numbers<[1], [0], [0], [1], [0, 0, 1, 1], [], []>, transpose_lhs_hint = false} : vector<512x256xf32>, vector<256x256xf32>, vector<512x256xf32> -> vector<512x256xf32>
    %get3A_30 = arith.constant 0 : index
    %get3A_31 = arith.constant 0 : index
    %get3A_32 = vector.load %arg8[%get3A_30, %get3A_31] : memref<1x256xf32, #tpu.memory_space<vmem>>, vector<1x256xf32>
    %add3A_33 = vector.broadcast %get3A_32 : vector<1x256xf32> to vector<512x256xf32>
    %add3A_34 = arith.addf %dot_general3A_29, %add3A_33 : vector<512x256xf32>
    %swap3A = arith.constant 0 : index
    %swap3A_35 = arith.constant 0 : index
    %swap3A_36 = vector.load %arg9[%swap3A, %swap3A_35] : memref<512x256xf32, #tpu.memory_space<vmem>>, vector<512x256xf32>
    tpu.vector_store %arg9[%swap3A, %swap3A_35], %add3A_34 {strides = array<i32>} : memref<512x256xf32, #tpu.memory_space<vmem>>, vector<512x256xf32>,
    %get3A_37 = arith.constant 0 : index
    %get3A_38 = arith.constant 0 : index
    %get3A_39 = vector.load %arg7[%get3A_37, %get3A_38] : memref<256x256xf32, #tpu.memory_space<vmem>>, vector<256x256xf32>
    %dot_general3A_40 = arith.constant dense<0.000000e+00> : vector<512x256xf32>
    %dot_general3A_41 = tpu.matmul %max3A_24, %get3A_39, %dot_general3A_40 {dimension_numbers = #tpu.dot_dimension_numbers<[1], [0], [0], [1], [0, 0, 1, 1], [], []>, transpose_lhs_hint = false} : vector<512x256xf32>, vector<256x256xf32>, vector<512x256xf32> -> vector<512x256xf32>
    %swap3A_42 = arith.constant 0 : index
    %swap3A_43 = arith.constant 0 : index
    %swap3A_44 = vector.load %arg10[%swap3A_42, %swap3A_43] : memref<512x256xf32, #tpu.memory_space<vmem>>, vector<512x256xf32>
    tpu.vector_store %arg10[%swap3A_42, %swap3A_43], %dot_general3A_41 {strides = array<i32>} : memref<512x256xf32, #tpu.memory_space<vmem>>, vector<512x256xf32>,
    return
  }
  func.func @transform_0(%arg0: i32) -> (i32, i32) {
    %c0_i32 = arith.constant 0 : i32
    %c0_i32_0 = arith.constant 0 : i32
    return %arg0, %c0_i32 : i32, i32
  }
  func.func @transform_1(%arg0: i32) -> (i32, i32) {
    %c0_i32 = arith.constant 0 : i32
    %c0_i32_0 = arith.constant 0 : i32
    %c0_i32_1 = arith.constant 0 : i32
    return %c0_i32, %c0_i32_0 : i32, i32
  }
  func.func @transform_2(%arg0: i32) -> (i32, i32) {
    %c0_i32 = arith.constant 0 : i32
    %c0_i32_0 = arith.constant 0 : i32
    %c0_i32_1 = arith.constant 0 : i32
    return %c0_i32, %c0_i32_0 : i32, i32
  }
  func.func @transform_3(%arg0: i32) -> (i32, i32) {
    %c0_i32 = arith.constant 0 : i32
    %c0_i32_0 = arith.constant 0 : i32
    %c0_i32_1 = arith.constant 0 : i32
    return %c0_i32, %c0_i32_0 : i32, i32
  }
  func.func @transform_4(%arg0: i32) -> (i32, i32) {
    %c0_i32 = arith.constant 0 : i32
    %c0_i32_0 = arith.constant 0 : i32
    %c0_i32_1 = arith.constant 0 : i32
    return %c0_i32, %c0_i32_0 : i32, i32
  }
  func.func @transform_5(%arg0: i32) -> (i32, i32) {
    %c0_i32 = arith.constant 0 : i32
    %c0_i32_0 = arith.constant 0 : i32
    %c0_i32_1 = arith.constant 0 : i32
    return %c0_i32, %c0_i32_0 : i32, i32
  }
  func.func @transform_6(%arg0: i32) -> (i32, i32) {
    %c0_i32 = arith.constant 0 : i32
    %c0_i32_0 = arith.constant 0 : i32
    %c0_i32_1 = arith.constant 0 : i32
    return %c0_i32, %c0_i32_0 : i32, i32
  }
  func.func @transform_7(%arg0: i32) -> (i32, i32) {
    %c0_i32 = arith.constant 0 : i32
    %c0_i32_0 = arith.constant 0 : i32
    %c0_i32_1 = arith.constant 0 : i32
    return %c0_i32, %c0_i32_0 : i32, i32
  }
  func.func @transform_8(%arg0: i32) -> (i32, i32) {
    %c0_i32 = arith.constant 0 : i32
    %c0_i32_0 = arith.constant 0 : i32
    return %arg0, %c0_i32 : i32, i32
  }
  func.func @transform_9(%arg0: i32) -> (i32, i32) {
    %c0_i32 = arith.constant 0 : i32
    %c0_i32_0 = arith.constant 0 : i32
    return %arg0, %c0_i32 : i32, i32
  }
}

module attributes {stable_mosaic.version = 14 : i64} {
  func.func @_scale_body(%arg0: i32, %arg1: memref<512x256xf32, #tpu.memory_space<vmem>>, %arg2: memref<512x1xf32, #tpu.memory_space<vmem>>, %arg3: memref<2x512x128xf32, #tpu.memory_space<vmem>>) attributes {dimension_semantics = [#tpu.dimension_semantics<arbitrary>], iteration_bounds = array<i64: 20>, scalar_prefetch = 0 : i64, scratch_operands = 0 : i64, tpu.core_type = #tpu.core_type<tc>, window_params = [{transform_indices = @transform_0, window_bounds = array<i64: 512, 256>}, {transform_indices = @transform_1, window_bounds = array<i64: 512, 1>}, {transform_indices = @transform_2, window_bounds = array<i64: 2, 512, 128>}]} {
    %get3A = arith.constant 0 : index
    %get3A_0 = arith.constant 0 : index
    %get3A_1 = vector.load %arg2[%get3A, %get3A_0] : memref<512x1xf32, #tpu.memory_space<vmem>>, vector<512x1xf32>
    %neg3A = arith.constant 0.000000e+00 : f32
    %neg3A_2 = vector.broadcast %neg3A : f32 to vector<512x1xf32>
    %neg3A_3 = arith.subf %neg3A_2, %get3A_1 : vector<512x1xf32>
    %get3A_4 = arith.constant 0 : index
    %get3A_5 = arith.constant 0 : index
    %get3A_6 = vector.load %arg1[%get3A_4, %get3A_5] : memref<512x256xf32, #tpu.memory_space<vmem>>, vector<512x256xf32>
    %mul3A = vector.broadcast %neg3A_3 : vector<512x1xf32> to vector<512x256xf32>
    %mul3A_7 = arith.mulf %mul3A, %get3A_6 : vector<512x256xf32>
    %slice3A = vector.extract_strided_slice %mul3A_7 {offsets = [0, 0], sizes = [512, 128], strides = [1, 1]} : vector<512x256xf32> to vector<512x128xf32>
    %swap3A = arith.constant 0 : index
    %swap3A_8 = arith.constant 0 : index
    %swap3A_9 = arith.constant 0 : index
    %swap3A_10 = vector.load %arg3[%swap3A, %swap3A_8, %swap3A_9] : memref<2x512x128xf32, #tpu.memory_space<vmem>>, vector<1x512x128xf32>
    %swap3A_11 = vector.shape_cast %swap3A_10 : vector<1x512x128xf32> to vector<512x128xf32>
    %swap3A_12 = vector.shape_cast %slice3A : vector<512x128xf32> to vector<1x512x128xf32>
    tpu.vector_store %arg3[%swap3A, %swap3A_8, %swap3A_9], %swap3A_12 {strides = array<i32>} : memref<2x512x128xf32, #tpu.memory_space<vmem>>, vector<1x512x128xf32>,
    %slice3A_13 = vector.extract_strided_slice %mul3A_7 {offsets = [0, 128], sizes = [512, 128], strides = [1, 1]} : vector<512x256xf32> to vector<512x128xf32>
    %swap3A_14 = arith.constant 1 : index
    %swap3A_15 = arith.constant 0 : index
    %swap3A_16 = arith.constant 0 : index
    %swap3A_17 = vector.load %arg3[%swap3A_14, %swap3A_15, %swap3A_16] : memref<2x512x128xf32, #tpu.memory_space<vmem>>, vector<1x512x128xf32>
    %swap3A_18 = vector.shape_cast %swap3A_17 : vector<1x512x128xf32> to vector<512x128xf32>
    %swap3A_19 = vector.shape_cast %slice3A_13 : vector<512x128xf32> to vector<1x512x128xf32>
    tpu.vector_store %arg3[%swap3A_14, %swap3A_15, %swap3A_16], %swap3A_19 {strides = array<i32>} : memref<2x512x128xf32, #tpu.memory_space<vmem>>, vector<1x512x128xf32>,
    return
  }
  func.func @transform_0(%arg0: i32) -> (i32, i32) {
    %c0_i32 = arith.constant 0 : i32
    %c0_i32_0 = arith.constant 0 : i32
    return %arg0, %c0_i32 : i32, i32
  }
  func.func @transform_1(%arg0: i32) -> (i32, i32) {
    %c0_i32 = arith.constant 0 : i32
    %c0_i32_0 = arith.constant 0 : i32
    return %arg0, %c0_i32 : i32, i32
  }
  func.func @transform_2(%arg0: i32) -> (i32, i32, i32) {
    %c0_i32 = arith.constant 0 : i32
    %c0_i32_0 = arith.constant 0 : i32
    %c0_i32_1 = arith.constant 0 : i32
    return %c0_i32, %arg0, %c0_i32_0 : i32, i32, i32
  }
}

module attributes {stable_mosaic.version = 14 : i64} {
  func.func @_combine_body(%arg0: i32, %arg1: memref<400x256xf32, #tpu.memory_space<vmem>>, %arg2: memref<2x400x128xf32, #tpu.memory_space<vmem>>, %arg3: memref<400x1xf32, #tpu.memory_space<vmem>>, %arg4: memref<400x256xf32, #tpu.memory_space<vmem>>) attributes {dimension_semantics = [#tpu.dimension_semantics<arbitrary>], iteration_bounds = array<i64: 25>, scalar_prefetch = 0 : i64, scratch_operands = 0 : i64, tpu.core_type = #tpu.core_type<tc>, window_params = [{transform_indices = @transform_0, window_bounds = array<i64: 400, 256>}, {transform_indices = @transform_1, window_bounds = array<i64: 2, 400, 128>}, {transform_indices = @transform_2, window_bounds = array<i64: 400, 1>}, {transform_indices = @transform_3, window_bounds = array<i64: 400, 256>}]} {
    %get3A = arith.constant 0 : index
    %get3A_0 = arith.constant 0 : index
    %get3A_1 = arith.constant 0 : index
    %get3A_2 = vector.load %arg2[%get3A, %get3A_0, %get3A_1] : memref<2x400x128xf32, #tpu.memory_space<vmem>>, vector<1x400x128xf32>
    %get3A_3 = vector.shape_cast %get3A_2 : vector<1x400x128xf32> to vector<400x128xf32>
    %get3A_4 = arith.constant 1 : index
    %get3A_5 = arith.constant 0 : index
    %get3A_6 = arith.constant 0 : index
    %get3A_7 = vector.load %arg2[%get3A_4, %get3A_5, %get3A_6] : memref<2x400x128xf32, #tpu.memory_space<vmem>>, vector<1x400x128xf32>
    %get3A_8 = vector.shape_cast %get3A_7 : vector<1x400x128xf32> to vector<400x128xf32>
    %concatenate3A = tpu.concatenate %get3A_3, %get3A_8 in 1 : vector<400x128xf32>, vector<400x128xf32> -> vector<400x256xf32>
    %get3A_9 = arith.constant 0 : index
    %get3A_10 = arith.constant 0 : index
    %get3A_11 = vector.load %arg1[%get3A_9, %get3A_10] : memref<400x256xf32, #tpu.memory_space<vmem>>, vector<400x256xf32>
    %get3A_12 = arith.constant 0 : index
    %get3A_13 = arith.constant 0 : index
    %get3A_14 = vector.load %arg3[%get3A_12, %get3A_13] : memref<400x1xf32, #tpu.memory_space<vmem>>, vector<400x1xf32>
    %mul3A = vector.broadcast %get3A_14 : vector<400x1xf32> to vector<400x256xf32>
    %mul3A_15 = arith.mulf %mul3A, %concatenate3A : vector<400x256xf32>
    %add3A = arith.addf %get3A_11, %mul3A_15 : vector<400x256xf32>
    %swap3A = arith.constant 0 : index
    %swap3A_16 = arith.constant 0 : index
    %swap3A_17 = vector.load %arg4[%swap3A, %swap3A_16] : memref<400x256xf32, #tpu.memory_space<vmem>>, vector<400x256xf32>
    tpu.vector_store %arg4[%swap3A, %swap3A_16], %add3A {strides = array<i32>} : memref<400x256xf32, #tpu.memory_space<vmem>>, vector<400x256xf32>,
    return
  }
  func.func @transform_0(%arg0: i32) -> (i32, i32) {
    %c0_i32 = arith.constant 0 : i32
    %c0_i32_0 = arith.constant 0 : i32
    return %arg0, %c0_i32 : i32, i32
  }
  func.func @transform_1(%arg0: i32) -> (i32, i32, i32) {
    %c0_i32 = arith.constant 0 : i32
    %c0_i32_0 = arith.constant 0 : i32
    %c0_i32_1 = arith.constant 0 : i32
    return %c0_i32, %arg0, %c0_i32_0 : i32, i32, i32
  }
  func.func @transform_2(%arg0: i32) -> (i32, i32) {
    %c0_i32 = arith.constant 0 : i32
    %c0_i32_0 = arith.constant 0 : i32
    return %arg0, %c0_i32 : i32, i32
  }
  func.func @transform_3(%arg0: i32) -> (i32, i32) {
    %c0_i32 = arith.constant 0 : i32
    %c0_i32_0 = arith.constant 0 : i32
    return %arg0, %c0_i32 : i32, i32
  }
}

</mosaic_0001>

<sc_bundles>
// kernel: kernel.10.cloned.1.call-start
scs
__scs_entry_jumppad:
0x0: {  	(pc) =	sbr.rel $0x88, $3  }
0x1: {  	(tag) =	ssettag $0x0;
	lr =	simm.s32 $0x1  }
0x2: {  	[smem:$0x3F98] =	sst lr;
	_ =	strace $0xD0000000  }
0x3: {  	_ = 	snop  }
0x4: {  	_ = 	snop  }
0x5: {  	_ = 	snop  }
0x6: {  	_ = 	snop  }
0x7: {  	_ = 	snop  }
__scs_overlays_trampoline_lowered:
0x8: {  	[smem:$0x3FA7] =	sst s0  }
0x9: {  	[smem:$0x3FA8] =	sst s1  }
0xa: {  	[smem:$0x3FA9] =	sst s2  }
0xb: {  	[smem:$0x3FAA] =	sst s3  }
0xc: {  	[smem:$0x3FAB] =	sst s4  }
0xd: {  	[smem:$0x3FAC] =	sst s5  }
0xe: {  	[smem:$0x3FAD] =	sst s6  }
0xf: {  	[smem:$0x3FAE] =	sst s7  }
0x10: {  	[smem:$0x3FAF] =	sst s8  }
0x11: {  	[smem:$0x3FB0] =	sst s9;
	s0 =	simm.s32 @!p0 $0x0  }
0x12: {  	s1 =	sld [smem:$0x3F96];
	s0 =	simm.s32 @p0 $0x1  }
0x13: {  	[smem:$0x3FB1] =	sst s0;
	s0 =	simm.s32 @!p1 $0x0  }
0x14: {  	s2 =	sld [smem:$0x3F95];
	s0 =	simm.s32 @p1 $0x1  }
0x15: {  	[smem:$0x3FB2] =	sst s0;
	s0 =	simm.s32 @!p2 $0x0  }
0x16: {  	s3 =	sld [smem:$0x3FDB];
	s0 =	simm.s32 @p2 $0x1  }
0x17: {  	s4 =	simm.s32 $0x1BF5;
	[smem:$0x3FB4] =	sst s0  }
0x18: {  	s0 =	sld [smem:$0x3F97];
	_ =	swait.ge [sflag:s4], $0x0  }
0x19: {  	s7 =	sld [smem:$0x3F98]  }
0x1a: {  	s8 =	sadd.s32 $0xFFFFE003, lr  }
0x1b: {  	s9 =	sadd.s32 $0xFFFFFEF7, lr;
	s5 =	simm.s32 $0xFFFFFFFF;
	p2 =	slt.u32 s8, $0xFFFFF086  }
0x1c: {  	p1 =	slt.u32 s9, $0xF7A;
	s5 =	simm.s32 @!p2 $0x0  }
0x1d: {  	s5 =	simm.s32 @p1 $0x1;
	p0 =	seq.s32 s7, s2  }
0x1e: {  	s7 =	smul.u32 @!p0 $0xF7A, s2;
	p2 =	seq.s32 @!p0 s5, $0x0  }
0x1f: {  	s9 =	smul.u32 $0xF7A, s1;
	s8 =	simm.s32 @!p0 $0x1BF5;
	p2 =	por !p2, p0  }
0x20: {  	[sflag:s8] =	ssyncset.s32 @!p0 $0xFFFFF086;
	s6 =	sadd.s32 @!p0 s3, s7;
	s7 =	simm.s32 @!p0 $0x108  }
0x21: {  	s3 =	sadd.s32 s3, s9;
	s6 =	sadd.s32 @!p0 $0x88, s6;
	s7 =	simm.s32 @p2 $0x1082  }
0x22: {  	[simem:s7], [sflag:s8] =	dma.local @!p0 [hbm:s6], $0xF7A  }
0x23: {  	s9 =	sor.u32 $0xD0000000, s2;
	s6 =	simm.s32 $0x108;
	_ =	swait.ge @!p0 [sflag:s8], $0x0  }
0x24: {  	s3 =	sadd.s32 $0x88, s3;
	s6 =	simm.s32 @!p1 $0x1082;
	[sflag:s4] =	ssyncset.s32 $0xFFFFF086  }
0x25: {  	[simem:s6], [sflag:s4] =	dma.local [hbm:s3], $0xF7A  }
0x26: {  	[smem:$0x3F98] =	sst s1;
	(tag) =	ssettag s2;
	_ =	strace s9  }
0x27: {  	s1 =	sld [smem:$0x3FA8]  }
0x28: {  	s2 =	sld [smem:$0x3FA9]  }
0x29: {  	s4 =	sld [smem:$0x3FAB]  }
0x2a: {  	p0 =	seq.s32 s5, $0x0;
	s5 =	sld [smem:$0x3FAC]  }
0x2b: {  	s6 =	sld [smem:$0x3FAD]  }
0x2c: {  	s7 =	sld [smem:$0x3FAE]  }
0x2d: {  	s3 =	simm.s32 $0x108;
	s8 =	sld [smem:$0x3FAF]  }
0x2e: {  	s3 =	simm.s32 @!p0 $0x1082;
	s9 =	sld [smem:$0x3FB0]  }
0x2f: {  	lr =	sadd.s32 s0, s3;
	s0 =	sld [smem:$0x3FA7]  }
0x30: {  	s3 =	sld [smem:$0x3FAA]  }
0x31: {  	[smem:$0x3FB3] =	sst s10  }
0x32: {  	s10 =	sld [smem:$0x3FB1];
	_ =	sdelay $0x3  }
0x33: {  	p0 =	seq.s32 s10, $0x1;
	s10 =	sld [smem:$0x3FB3];
	_ =	sdelay $0x3  }
0x34: {  	[smem:$0x3FB3] =	sst s10  }
0x35: {  	s10 =	sld [smem:$0x3FB2];
	_ =	sdelay $0x3  }
0x36: {  	p1 =	seq.s32 s10, $0x1;
	s10 =	sld [smem:$0x3FB3];
	_ =	sdelay $0x3  }
0x37: {  	[smem:$0x3FB3] =	sst s10  }
0x38: {  	s10 =	sld [smem:$0x3FB4]  }
0x39: {  	_ = 	snop;
	(pc) =	sbr.ind lr, $3  }
0x3a: {  	_ = 	snop  }
0x3b: {  	_ = 	snop  }
0x3c: {  	p2 =	seq.s32 s10, $0x1;
	s10 =	sld [smem:$0x3FB3]  }
0x3d: {  	_ =	shalt  }
0x3e: {  	_ =	shalt  }
0x3f: {  	_ =	shalt  }
0x40: {  	_ =	shalt  }
0x41: {  	_ =	shalt  }
0x42: {  	_ =	shalt  }
0x43: {  	_ =	shalt  }
0x44: {  	_ =	shalt  }
0x45: {  	_ =	shalt  }
0x46: {  	_ =	shalt  }
0x47: {  	_ =	shalt  }
0x48: {  	_ =	shalt  }
0x49: {  	_ =	shalt  }
0x4a: {  	_ =	shalt  }
0x4b: {  	_ =	shalt  }
0x4c: {  	_ =	shalt  }
0x4d: {  	_ =	shalt  }
0x4e: {  	_ =	shalt  }
0x4f: {  	_ =	shalt  }
0x50: {  	_ =	shalt  }
0x51: {  	_ =	shalt  }
0x52: {  	_ =	shalt  }
0x53: {  	_ =	shalt  }
0x54: {  	_ =	shalt  }
0x55: {  	_ =	shalt  }
0x56: {  	_ =	shalt  }
0x57: {  	_ =	shalt  }
0x58: {  	_ =	shalt  }
0x59: {  	_ =	shalt  }
0x5a: {  	_ =	shalt  }
0x5b: {  	_ =	shalt  }
0x5c: {  	_ =	shalt  }
0x5d: {  	_ =	shalt  }
0x5e: {  	_ =	shalt  }
0x5f: {  	_ =	shalt  }
0x60: {  	_ =	shalt  }
0x61: {  	_ =	shalt  }
0x62: {  	_ =	shalt  }
0x63: {  	_ =	shalt  }
0x64: {  	_ =	shalt  }
0x65: {  	_ =	shalt  }
0x66: {  	_ =	shalt  }
0x67: {  	_ =	shalt  }
0x68: {  	_ =	shalt  }
0x69: {  	_ =	shalt  }
0x6a: {  	_ =	shalt  }
0x6b: {  	_ =	shalt  }
0x6c: {  	_ =	shalt  }
0x6d: {  	_ =	shalt  }
0x6e: {  	_ =	shalt  }
0x6f: {  	_ =	shalt  }
0x70: {  	_ =	shalt  }
0x71: {  	_ =	shalt  }
0x72: {  	_ =	shalt  }
0x73: {  	_ =	shalt  }
0x74: {  	_ =	shalt  }
0x75: {  	_ =	shalt  }
0x76: {  	_ =	shalt  }
0x77: {  	_ =	shalt  }
0x78: {  	_ =	shalt  }
0x79: {  	_ =	shalt  }
0x7a: {  	_ =	shalt  }
0x7b: {  	_ =	shalt  }
0x7c: {  	_ =	shalt  }
0x7d: {  	_ =	shalt  }
0x7e: {  	_ =	shalt  }
0x7f: {  	_ =	shalt  }
0x80: {  	_ =	shalt  }
0x81: {  	_ =	shalt  }
0x82: {  	_ =	shalt  }
0x83: {  	_ =	shalt  }
0x84: {  	_ =	shalt  }
0x85: {  	_ =	shalt  }
0x86: {  	_ =	shalt  }
0x87: {  	_ =	shalt  }
.Lfunc_end0:
.L_simem_size_0:
called_computation.1_lowered:
.L_overlay_start_0:
0x88: {  	s2 =	sld [smem:$0x3FD9]  }
0x89: {  	s3 =	sld [smem:$0x3FFE];
	_ =	sdelay $0x1  }
0x8a: {  	s1 =	srdreg.scid  }
0x8b: {  	s0 =	sand.u32 $0x1, s1  }
0x8c: {  	s17 =	sshll.u32 s0, $0xA;
	s2 =	sadd.s32 s3, s2  }
0x8d: {  	s2 =	sadd.s32 s2, s17  }
0x8e: {  	[smem:$0x3FBF] =	sst s2  }
0x8f: {  	_ = 	snop  }
0x90: {  	s2 =	sld [smem:$0x3FD0];
	(tm) =	ssettm $0x1  }
0x91: {  	s18 =	sld [smem:$0x3FFB];
	_ =	sdelay $0x3  }
0x92: {  	_ =	strace s18  }
0x93: {  	s3 =	sld [smem:$0x3FFC];
	_ =	sdelay $0x3  }
0x94: {  	_ =	strace s3  }
0x95: {  	s3 =	sld [smem:$0x3FFD];
	_ =	sdelay $0x3  }
0x96: {  	_ =	strace s3  }
0x97: {  	_ =	strace $0x8FFFFFFF  }
0x98: {  	s19 =	sld [smem:$0x3FDB];
	_ =	sdelay $0x1  }
0x99: {  	s4 =	simm.s32 $_scs_section_size  }
0x9a: {  	s5 =	simm.s32 $_size__tile_overlayer_lowered;
	s6 =	simm.s32 $_tile_overlayer_lowered  }
0x9b: {  	s22 =	simm.s32 $0x1BFF;
	s21 =	sshll.u32 s6, $0x1;
	s3 =	sadd.s32 s4, s19  }
0x9c: {  	s7 =	simm.s32 $0x0;
	s20 =	sshll.u32 s5, $0x1;
	s5 =	sadd.s32 s21, s3  }
0x9d: {  	[timem:s7], [sflag:s22] =	dma.local [hbm:s5], s20  }
0x9e: {  	_ =	swait.ge [sflag:s22], s20  }
0x9f: {  	s4 =	ssub.s32 $0x0, s20;
	[sflag:s22] =	ssyncset.done $0x0  }
0xa0: {  	[sflag:s22] =	ssyncadd.s32 s4;
	_ =	sdelay $0x1  }
0xa1: {  	s23 =	simm.s32 $0x1B8B  }
0xa2: {  	_ =	swait.ge [sflag:s23], $0x1  }
0xa3: {  	[sflag:s23] =	ssyncset.done $0x0  }
0xa4: {  	s25 =	simm.s32 $0x1B8E;
	s24 =	sld [smem:$0x3FFE];
	[sflag:s23] =	ssyncadd.s32 $0xFFFFFFFF  }
0xa5: {  	s26 =	simm.s32 $execute0_lowered;
	[smem:$0x3FD2] =	sst s25  }
0xa6: {  	s5 =	sshll.u32 s26, $0x1;
	_ =	strace $0x80000049;
	[dreg:$0x1] =	wrdreg $0xFFFFFFFF  }
0xa7: {  	s28 =	simm.s32 $_size_execute0_lowered;
	s3 =	sadd.s32 s3, s5;
	[dreg:$0x0] =	wrdreg $0x0  }
0xa8: {  	s5 =	sshll.u32 s28, $0x1;
	[dreg:$0x2] =	wrdreg s3  }
0xa9: {  	[dreg:$0x3] =	wrdreg s5  }
0xaa: {  	[dreg:$0x4] =	wrdreg $0xC0  }
0xab: {  	_ =	task [dreg:s7], $0x5FFFF  }
0xac: {  	[dreg:$0x1] =	wrdreg $0xFFFFFFFF  }
0xad: {  	[dreg:$0x0] =	wrdreg $0x60  }
0xae: {  	[dreg:$0x2] =	wrdreg s2  }
0xaf: {  	[dreg:$0x3] =	wrdreg s24  }
0xb0: {  	[dreg:$0x4] =	wrdreg $0xB0000  }
0xb1: {  	[dreg:$0x5] =	wrdreg $0x150000  }
0xb2: {  	[dreg:$0x6] =	wrdreg $0x9  }
0xb3: {  	_ =	task.clear_ibuf [dreg:s7], $0x7FFFF;
	_ =	strace $0x90000049  }
0xb4: {  	s29 =	simm.s32 $0x9;
	_ =	strace $0x8000004B  }
0xb5: {  	_ =	swait.ge [sflag:s29], $0x1  }
0xb6: {  	[sflag:s29] =	ssyncadd.s32 $0xFFFFFFFF  }
0xb7: {  	_ =	strace $0x9000004B  }
0xb8: {  	_ =	sfence  }
0xb9: {  	s30 =	sld [smem:$0x0];
	_ =	sdelay $0x2  }
0xba: {  	s31 =	sshll.u32 s1, $0xD;
	s1 =	sshrl.u32 s1, $0x2  }
0xbb: {  	s3 =	sand.u32 $0x4000, s31;
	s1 =	sadd.s32 s1, s30  }
0xbc: {  	s0 =	sor.u32 s3, s0;
	s1 =	sshll.u32 s1, $0x11  }
0xbd: {  	s0 =	sor.u32 s1, s0  }
0xbe: {  	s0 =	sadd.s32 $0x8F2B, s0  }
0xbf: {  	[sflag:s0] =	ssyncadd.remote.s32 $0x1  }
0xc0: {  	_ =	sfence.sel $0xFFFF  }
0xc1: {  	[dreg:$0x0] =	wrdreg $0xFFFFFFFF;
	(pc) =	sbr.abs _section_cstart, $3  }
0xc2: {  	[dreg:$0x1] =	wrdreg $0xFFFFFFFF  }
0xc3: {  	_ =	task.clear_ibuf [dreg:s7], $0x2FFFF;
	_ =	strace $0x9FFFFFFF  }
0xc4: {  	(tm) =	ssettm $0x7FFFFFFF  }
0xc5: {  	_ =	shalt  }
tec
execute0_lowered:
.L_overlay_start_1:
0x0: {  	(tag) =	ssettag $0x1  }
0x1: {  	s0 =	rddreg [dreg:$0x0]  }
0x2: {  	s1 =	rddreg [dreg:$0x1]  }
0x3: {  	s2 =	rddreg [dreg:$0x2]  }
0x4: {  	s3 =	rddreg [dreg:$0x3]  }
0x5: {  	s14 =	stileid.u32;
	s4 =	simm.s32 $0x0;
	s6 =	srdreg.scid  }
0x6: {  	s19 =	simm.s32 $0x1;
	s20 =	simm.s32 $0x8;
	s5 =	smul.u32 $0x500, s14  }
0x7: {  	s28 =	simm.s32 $0x4;
	s29 =	simm.s32 $0x5;
	s7 =	smul.u32 $0xA000, s14  }
0x8: {  	s30 =	simm.s32 $0x0;
	[smem:$0x7FF] =	sst s4;
	s9 =	smul.u32 $0x14000, s14  }
0x9: {  	s6 =	sand.u32 $0x1, s6;
	s13 =	sadd.s32 $0xBA00, s1;
	s11 =	smul.u32 $0x28000, s14  }
0xa: {  	s22 =	sshll.u32 s14, $0x6;
	_ =	strace $0x8000004A;
	s8 =	smul.u32 $0x140000, s6  }
0xb: {  	s6 =	ssub.s32 $0x2, s6;
	s12 =	sadd.s32 s5, s1;
	s1 =	sadd.s32 $0x5BA00, s1  }
0xc: {  	s10 =	sshrl.u32 s6, $0x1;
	s18 =	sadd.s32 s7, s2;
	s23 =	sshrl.u32 s11, $0x2  }
0xd: {  	s7 =	sadd.s32 s7, s3;
	s0 =	sadd.s32 s0, s5;
	s17 =	ssub.s32 s6, s10  }
0xe: {  	s21 =	sadd.s32 s9, s8;
	s6 =	sor.u32 $0x1C07, s22;
	s11 =	sadd.s32 s23, s3  }
0xf: {  	[dreg:$0x6] =	wrdreg s0;
	s25 =	sadd.s32 $0x6A00, s12;
	s18 =	sshrl.u32 s18, $0x3  }
0x10: {  	s22 =	simm.s32 $0x7;
	s23 =	simm.s32 $0x5000;
	s15 =	sshrl.u32 s21, $0x3  }
0x11: {  	s8 =	sadd.s32 $0x2000, s11;
	s9 =	sadd.s32 $0x4000, s11;
	s10 =	sadd.s32 $0x6000, s11  }
.Ltmp0:
0x12: {  	s11 =	sadd.s32 $0x8000, s11;
	[dreg:$0x7] =	wrdreg s25;
	(pc) =	sbr.rel .LBB2_1-.Ltmp0, $4  }
0x13: {  	s17 =	smax.u32 s17, $0x1;
	s21 =	simm.s32 $0x10;
	s24 =	sadd.s32 s13, s15  }
0x14: {  	s26 =	sadd.s32 s1, s15;
	s31 =	sor.u32 $0x8, s15;
	[dreg:$0x5] =	wrdreg s24  }
0x15: {  	s25 =	simm.s32 $0x7000;
	[dreg:$0x8] =	wrdreg s26;
	s15 =	sadd.s32 s13, s31  }
0x16: {  	v0 =	vimm.f32 $0.0e+00;
	s16 =	sadd.s32 s1, s31;
	s24 =	simm.s32 $0x80;
	s26 =	simm.s32 $0x6  }
.LBB2_17:
0x17: {  	_ =	swait.ge [sflag:s26], $0x2000  }
0x18: {  	[sflag:s26] =	ssyncset.done $0x0  }
0x19: {  	[sflag:s26] =	ssyncadd.s32 $0xFFFFE000  }
0x1a: {  	_ =	swait.ge [sflag:s28], $0x2000  }
0x1b: {  	[sflag:s28] =	ssyncset.done $0x0  }
0x1c: {  	[sflag:s28] =	ssyncadd.s32 $0xFFFFE000  }
0x1d: {  	_ =	swait.ge [sflag:s29], $0x2000  }
0x1e: {  	[sflag:s29] =	ssyncset.done $0x0  }
0x1f: {  	s30 =	sadd.s32 $0x1, s30;
	[sflag:s29] =	ssyncadd.s32 $0xFFFFE000  }
0x20: {  	p0 =	sne.s32 s30, s17;
	[bflag:$0x0] =	sbarrier.arrive $0xFFFF  }
0x21: {  	[hbm:s16@s21], [sflag:s6] =	dma.strided [spmem:s31@s20], $0x1400, s19, $0x8   }
.Ltmp1:
0x22: {  	_ =	swait.ge [sflag:s22], $0x1400;
	(pc) =	sbr.rel @!p0 .LBB2_18-.Ltmp1, $3  }
0x23: {  	[sflag:s22] =	ssyncset.done $0x0  }
0x24: {  	[sflag:s22] =	ssyncadd.s32 $0xFFFFEC00  }
0x25: {  	[bflag:$0x0] =	sbarrier.arrive $0xFFFF;
	_ =	sdelay $0x1  }
.LBB2_1:
0x26: {  	s0 =	rddreg [dreg:$0x5]  }
0x27: {  	[spmem:s18@s20], [sflag:s6] =	dma.strided [hbm:s0@s21], $0x1400, s19, $0x8   }
0x28: {  	s31 =	sand.u32 $0x7F00, s4;
	s1 =	sand.u32 $0x30, s4;
	_ =	swait.ge [sflag:s22], $0x1400  }
0x29: {  	s5 =	sshrl.u32 s31, $0x2;
	s0 =	simm.s32 $0x40;
	[sflag:s22] =	ssyncset.done $0x0  }
0x2a: {  	s5 =	sor.u32 s1, s5;
	s1 =	simm.s32 $0x0;
	[sflag:s22] =	ssyncadd.s32 $0xFFFFEC00  }
.LBB2_2:
0x2b: {  	p0 =	sne.s32 s0, $0x7FC0  }
0x2c: {  	[tilespmem:s5+$0x5000] =	vst v0;
	s1 =	sadd.s32 $0x10, s1;
	s5 =	smov.u32 s0;
	s0 =	sadd.s32 $0x40, s0  }
.Ltmp2:
0x2d: {  	(pc) =	sbr.rel @p0 .LBB2_2-.Ltmp2, $4  }
0x2e: {  	_ = 	snop  }
0x2f: {  	s5 =	sand.u32 $0x7F00, s5  }
0x30: {  	s12 =	sand.u32 $0x30, s1;
	s5 =	sshrl.u32 s5, $0x2  }
0x31: {  	s5 =	sor.u32 s12, s5  }
0x32: {  	[tilespmem:s5+$0x5000] =	vst v0  }
0x33: {  	[spmem:s7] =	stream.linear.scatter [tilespmem:s23], [sflag:$0x7], $0x2000, $0x38;
	[tilespmem:$0x1F000] =	vst v63  }
0x34: {  	_ =	swait.ge [sflag:s22], $0x2000  }
0x35: {  	[sflag:s22] =	ssyncset.done $0x0  }
0x36: {  	[sflag:s22] =	ssyncadd.s32 $0xFFFFE000  }
0x37: {  	[spmem:s8] =	stream.linear.scatter [tilespmem:s23], [sflag:$0x7], $0x2000, $0x38;
	[tilespmem:$0x1F000] =	vst v63  }
0x38: {  	_ =	swait.ge [sflag:s22], $0x2000  }
0x39: {  	[sflag:s22] =	ssyncset.done $0x0  }
0x3a: {  	[sflag:s22] =	ssyncadd.s32 $0xFFFFE000  }
0x3b: {  	[spmem:s9] =	stream.linear.scatter [tilespmem:s23], [sflag:$0x7], $0x2000, $0x38;
	[tilespmem:$0x1F000] =	vst v63  }
0x3c: {  	_ =	swait.ge [sflag:s22], $0x2000  }
0x3d: {  	[sflag:s22] =	ssyncset.done $0x0  }
0x3e: {  	[sflag:s22] =	ssyncadd.s32 $0xFFFFE000  }
0x3f: {  	[spmem:s10] =	stream.linear.scatter [tilespmem:s23], [sflag:$0x7], $0x2000, $0x38;
	[tilespmem:$0x1F000] =	vst v63  }
0x40: {  	_ =	swait.ge [sflag:s22], $0x2000  }
0x41: {  	[sflag:s22] =	ssyncset.done $0x0  }
0x42: {  	[sflag:s22] =	ssyncadd.s32 $0xFFFFE000  }
0x43: {  	[spmem:s11] =	stream.linear.scatter [tilespmem:s23], [sflag:$0x7], $0x2000, $0x38;
	[tilespmem:$0x1F000] =	vst v63  }
0x44: {  	_ =	swait.ge [sflag:s22], $0x2000  }
0x45: {  	[sflag:s22] =	ssyncset.done $0x0  }
0x46: {  	[sflag:s22] =	ssyncadd.s32 $0xFFFFE000  }
0x47: {  	[bflag:$0x0] =	sbarrier.arrive $0xFFFF  }
0x48: {  	s0 =	rddreg [dreg:$0x6]  }
0x49: {  	[tilespmem:s4], [sflag:$0x7] =	stream.linear.gather [hbm4b:s0+s4], $0x2800, $0x38;
	[tilespmem:$0x1F000] =	vst v63  }
0x4a: {  	_ =	swait.ge [sflag:s22], $0x2800  }
0x4b: {  	[sflag:s22] =	ssyncset.done $0x0  }
0x4c: {  	s31 =	simm.s32 $0x2800;
	s14 =	rddreg [dreg:$0x7];
	[sflag:s22] =	ssyncadd.s32 $0xFFFFD800  }
0x4d: {  	[tilespmem:s31], [sflag:$0x7] =	stream.linear.gather [hbm4b:s14+s4], $0x2800, $0x38;
	[tilespmem:$0x1F000] =	vst v63  }
0x4e: {  	_ =	swait.ge [sflag:s22], $0x2800  }
.Ltmp3:
0x4f: {  	[sflag:s22] =	ssyncset.done $0x0;
	(pc) =	sbr.rel .LBB2_4-.Ltmp3, $4  }
0x50: {  	[sflag:s22] =	ssyncadd.s32 $0xFFFFD800  }
0x51: {  	[tilespmem:s23], [sflag:$0x1] =	stream.indirect.gather [spmem:s2], $0x40, s4, s24, $0xb8;
	[tilespmem:$0x1F000] =	vst v63  }
0x52: {  	s1 =	simm.s32 $0xFFFFFFFF;
	s0 =	simm.s32 $0x100  }
0x53: {  	[tilespmem:s25], [sflag:$0x2] =	stream.indirect.gather [spmem:s2], $0x40, s24, s24, $0xb8;
	[tilespmem:$0x1F000] =	vst v63  }
.LBB2_5:
0x54: {  	s13 =	sadd.s32 $0x4, s12  }
0x55: {  	_ =	swait.ge [sflag:s13], $0x2000  }
0x56: {  	[sflag:s13] =	ssyncset.done $0x0  }
0x57: {  	[sflag:s13] =	ssyncadd.s32 $0xFFFFE000  }
.LBB2_7:
0x58: {  	s13 =	sshll.u32 s12, $0xD  }
0x59: {  	s14 =	sadd.s32 $0x1, s12;
	s13 =	sadd.s32 $0x5000, s13  }
0x5a: {  	[tilespmem:s13], [sflag:s14] =	stream.indirect.gather [spmem:s2], $0x40, s0, s24, $0xb8;
	[tilespmem:$0x1F000] =	vst v63  }
.LBB2_8:
0x5b: {  	s5 =	sadd.s32 $0xAB, s5  }
0x5c: {  	s5 =	sshrl.u32 s5, $0x9  }
0x5d: {  	s5 =	sand.u32 $0x7F, s5  }
0x5e: {  	s5 =	smul.u32 $0x3, s5;
	_ =	sdelay $0x1  }
0x5f: {  	s5 =	ssub.s32 s1, s5  }
0x60: {  	s5 =	sand.u32 $0xFF, s5  }
0x61: {  	p0 =	sne.s32 s1, $0x4F;
	s12 =	sadd.s32 $0x1, s5  }
.Ltmp4:
0x62: {  	_ =	swait.ge [sflag:s12], $0x2000;
	(pc) =	sbr.rel @!p0 .LBB2_9-.Ltmp4, $4  }
0x63: {  	s13 =	sshll.u32 s5, $0xD;
	[sflag:s12] =	ssyncset.done $0x0  }
0x64: {  	s5 =	sadd.s32 $0x4, s5;
	s14 =	sadd.s32 $0x5000, s13;
	[sflag:s12] =	ssyncadd.s32 $0xFFFFE000  }
0x65: {  	[spmem:s3] =	stream.indirect.scatter.add.f32 [tilespmem:s14], [sflag:s5], $0x40, s31, s24, $0xb8;
	[tilespmem:$0x1F000] =	vst v63  }
0x66: {  	s0 =	sadd.s32 $0x80, s0;
	s31 =	sadd.s32 $0x80, s31  }
.LBB2_4:
0x67: {  	s5 =	smul.u32 $0xAB, s1;
	_ =	sdelay $0x1  }
0x68: {  	s12 =	sadd.s32 $0x201, s5  }
0x69: {  	s12 =	sshrl.u32 s12, $0x9  }
0x6a: {  	s12 =	sand.u32 $0x7F, s12  }
0x6b: {  	p0 =	sgt.u32 s1, $0x4C;
	s12 =	smul.u32 $0x3, s12  }
.Ltmp5:
0x6c: {  	_ = 	snop;
	(pc) =	sbr.rel @!p0 .LBB2_5-.Ltmp5, $4  }
0x6d: {  	_ = 	snop  }
0x6e: {  	s12 =	ssub.s32 s1, s12  }
0x6f: {  	s12 =	sadd.s32 $0x3, s12  }
0x70: {  	s1 =	sadd.s32 $0x1, s1;
	s12 =	sand.u32 $0xFF, s12  }
0x71: {  	p0 =	sgt.u32 s1, $0x4D  }
.Ltmp6:
0x72: {  	_ = 	snop;
	(pc) =	sbr.rel @p0 .LBB2_8-.Ltmp6, $4  }
.Ltmp7:
0x73: {  	_ = 	snop;
	(pc) =	sbr.rel @!p0 .LBB2_7-.Ltmp7, $4  }
0x74: {  	_ = 	snop  }
0x75: {  	_ = 	snop  }
0x76: {  	_ = 	snop  }
0x77: {  	_ = 	snop  }
.LBB2_9:
0x78: {  	_ =	swait.ge [sflag:s26], $0x2000  }
0x79: {  	[sflag:s26] =	ssyncset.done $0x0  }
0x7a: {  	[sflag:s26] =	ssyncadd.s32 $0xFFFFE000  }
0x7b: {  	_ =	swait.ge [sflag:s28], $0x2000  }
0x7c: {  	[sflag:s28] =	ssyncset.done $0x0  }
0x7d: {  	[sflag:s28] =	ssyncadd.s32 $0xFFFFE000  }
0x7e: {  	_ =	swait.ge [sflag:s29], $0x2000  }
0x7f: {  	[sflag:s29] =	ssyncset.done $0x0  }
0x80: {  	[sflag:s29] =	ssyncadd.s32 $0xFFFFE000  }
0x81: {  	[bflag:$0x0] =	sbarrier.arrive $0xFFFF  }
0x82: {  	s31 =	sshrl.u32 s7, $0x3;
	s0 =	rddreg [dreg:$0x8]  }
0x83: {  	[hbm:s0@s21], [sflag:s6] =	dma.strided [spmem:s31@s20], $0x1400, s19, $0x8   }
0x84: {  	_ =	swait.ge [sflag:s22], $0x1400  }
0x85: {  	[sflag:s22] =	ssyncset.done $0x0  }
0x86: {  	[sflag:s22] =	ssyncadd.s32 $0xFFFFEC00  }
0x87: {  	s0 =	simm.s32 $0x0;
	[bflag:$0x0] =	sbarrier.arrive $0xFFFF  }
0x88: {  	[spmem:s18@s20], [sflag:s6] =	dma.strided [hbm:s15@s21], $0x1400, s19, $0x8   }
0x89: {  	s1 =	sand.u32 $0x7F00, s0;
	_ =	swait.ge [sflag:s22], $0x1400  }
0x8a: {  	s5 =	sand.u32 $0x30, s0;
	s12 =	sshrl.u32 s1, $0x2;
	[sflag:s22] =	ssyncset.done $0x0  }
0x8b: {  	s1 =	simm.s32 $0x40;
	s5 =	sor.u32 s5, s12;
	[sflag:s22] =	ssyncadd.s32 $0xFFFFEC00  }
.LBB2_10:
0x8c: {  	p0 =	sne.s32 s1, $0x7FC0  }
0x8d: {  	[tilespmem:s5+$0x5000] =	vst v0;
	s0 =	sadd.s32 $0x10, s0;
	s5 =	smov.u32 s1;
	s1 =	sadd.s32 $0x40, s1  }
.Ltmp8:
0x8e: {  	(pc) =	sbr.rel @p0 .LBB2_10-.Ltmp8, $4  }
0x8f: {  	_ = 	snop  }
0x90: {  	s5 =	sand.u32 $0x7F00, s5  }
0x91: {  	s12 =	sand.u32 $0x30, s0;
	s5 =	sshrl.u32 s5, $0x2  }
0x92: {  	s5 =	sor.u32 s12, s5  }
0x93: {  	[tilespmem:s5+$0x5000] =	vst v0  }
0x94: {  	[spmem:s7] =	stream.linear.scatter [tilespmem:s23], [sflag:$0x7], $0x2000, $0x38;
	[tilespmem:$0x1F000] =	vst v63  }
0x95: {  	_ =	swait.ge [sflag:s22], $0x2000  }
0x96: {  	[sflag:s22] =	ssyncset.done $0x0  }
0x97: {  	[sflag:s22] =	ssyncadd.s32 $0xFFFFE000  }
0x98: {  	[spmem:s8] =	stream.linear.scatter [tilespmem:s23], [sflag:$0x7], $0x2000, $0x38;
	[tilespmem:$0x1F000] =	vst v63  }
0x99: {  	_ =	swait.ge [sflag:s22], $0x2000  }
0x9a: {  	[sflag:s22] =	ssyncset.done $0x0  }
0x9b: {  	[sflag:s22] =	ssyncadd.s32 $0xFFFFE000  }
0x9c: {  	[spmem:s9] =	stream.linear.scatter [tilespmem:s23], [sflag:$0x7], $0x2000, $0x38;
	[tilespmem:$0x1F000] =	vst v63  }
0x9d: {  	_ =	swait.ge [sflag:s22], $0x2000  }
0x9e: {  	[sflag:s22] =	ssyncset.done $0x0  }
0x9f: {  	[sflag:s22] =	ssyncadd.s32 $0xFFFFE000  }
0xa0: {  	[spmem:s10] =	stream.linear.scatter [tilespmem:s23], [sflag:$0x7], $0x2000, $0x38;
	[tilespmem:$0x1F000] =	vst v63  }
0xa1: {  	_ =	swait.ge [sflag:s22], $0x2000  }
0xa2: {  	[sflag:s22] =	ssyncset.done $0x0  }
0xa3: {  	[sflag:s22] =	ssyncadd.s32 $0xFFFFE000  }
0xa4: {  	[spmem:s11] =	stream.linear.scatter [tilespmem:s23], [sflag:$0x7], $0x2000, $0x38;
	[tilespmem:$0x1F000] =	vst v63  }
0xa5: {  	_ =	swait.ge [sflag:s22], $0x2000  }
0xa6: {  	[sflag:s22] =	ssyncset.done $0x0  }
.Ltmp9:
0xa7: {  	[sflag:s22] =	ssyncadd.s32 $0xFFFFE000;
	(pc) =	sbr.rel .LBB2_12-.Ltmp9, $4  }
0xa8: {  	[bflag:$0x0] =	sbarrier.arrive $0xFFFF  }
0xa9: {  	[tilespmem:s23], [sflag:$0x1] =	stream.indirect.gather [spmem:s2], $0x40, s4, s24, $0xb8;
	[tilespmem:$0x1F000] =	vst v63  }
0xaa: {  	s0 =	simm.s32 $0x2800;
	s5 =	simm.s32 $0xFFFFFFFF;
	s1 =	simm.s32 $0x100  }
0xab: {  	[tilespmem:s25], [sflag:$0x2] =	stream.indirect.gather [spmem:s2], $0x40, s24, s24, $0xb8;
	[tilespmem:$0x1F000] =	vst v63  }
.LBB2_13:
0xac: {  	s14 =	sadd.s32 $0x4, s13  }
0xad: {  	_ =	swait.ge [sflag:s14], $0x2000  }
0xae: {  	[sflag:s14] =	ssyncset.done $0x0  }
0xaf: {  	[sflag:s14] =	ssyncadd.s32 $0xFFFFE000  }
.LBB2_15:
0xb0: {  	s14 =	sshll.u32 s13, $0xD  }
0xb1: {  	s13 =	sadd.s32 $0x1, s13;
	s14 =	sadd.s32 $0x5000, s14  }
0xb2: {  	[tilespmem:s14], [sflag:s13] =	stream.indirect.gather [spmem:s2], $0x40, s1, s24, $0xb8;
	[tilespmem:$0x1F000] =	vst v63  }
.LBB2_16:
0xb3: {  	s12 =	sadd.s32 $0xAB, s12  }
0xb4: {  	s12 =	sshrl.u32 s12, $0x9  }
0xb5: {  	s12 =	sand.u32 $0x7F, s12  }
0xb6: {  	s12 =	smul.u32 $0x3, s12;
	_ =	sdelay $0x1  }
0xb7: {  	s12 =	ssub.s32 s5, s12  }
0xb8: {  	s12 =	sand.u32 $0xFF, s12  }
0xb9: {  	p0 =	sne.s32 s5, $0x4F;
	s13 =	sadd.s32 $0x1, s12  }
.Ltmp10:
0xba: {  	_ =	swait.ge [sflag:s13], $0x2000;
	(pc) =	sbr.rel @!p0 .LBB2_17-.Ltmp10, $4  }
0xbb: {  	s14 =	sshll.u32 s12, $0xD;
	[sflag:s13] =	ssyncset.done $0x0  }
0xbc: {  	s12 =	sadd.s32 $0x4, s12;
	s14 =	sadd.s32 $0x5000, s14;
	[sflag:s13] =	ssyncadd.s32 $0xFFFFE000  }
0xbd: {  	[spmem:s3] =	stream.indirect.scatter.add.f32 [tilespmem:s14], [sflag:s12], $0x40, s0, s24, $0xb8;
	[tilespmem:$0x1F000] =	vst v63  }
0xbe: {  	s1 =	sadd.s32 $0x80, s1;
	s0 =	sadd.s32 $0x80, s0  }
.LBB2_12:
0xbf: {  	s12 =	smul.u32 $0xAB, s5;
	_ =	sdelay $0x1  }
0xc0: {  	s13 =	sadd.s32 $0x201, s12  }
0xc1: {  	s13 =	sshrl.u32 s13, $0x9  }
0xc2: {  	s13 =	sand.u32 $0x7F, s13  }
0xc3: {  	p0 =	sgt.u32 s5, $0x4C;
	s13 =	smul.u32 $0x3, s13  }
.Ltmp11:
0xc4: {  	_ = 	snop;
	(pc) =	sbr.rel @!p0 .LBB2_13-.Ltmp11, $4  }
0xc5: {  	_ = 	snop  }
0xc6: {  	s13 =	ssub.s32 s5, s13  }
0xc7: {  	s13 =	sadd.s32 $0x3, s13  }
0xc8: {  	s5 =	sadd.s32 $0x1, s5;
	s13 =	sand.u32 $0xFF, s13  }
0xc9: {  	p0 =	sgt.u32 s5, $0x4D  }
.Ltmp12:
0xca: {  	_ = 	snop;
	(pc) =	sbr.rel @p0 .LBB2_16-.Ltmp12, $4  }
.Ltmp13:
0xcb: {  	_ = 	snop;
	(pc) =	sbr.rel @!p0 .LBB2_15-.Ltmp13, $4  }
0xcc: {  	_ = 	snop  }
0xcd: {  	_ = 	snop  }
0xce: {  	_ = 	snop  }
0xcf: {  	_ = 	snop  }
.LBB2_18:
0xd0: {  	_ =	sfence.sel $0x180000  }
0xd1: {  	[bflag:$0x0] =	sbarrier.arrive $0xFFFF  }
0xd2: {  	_ =	strace $0x9000004A  }
0xd3: {  	s0 =	stileid.u32;
	[bflag:$0x2] =	sbarrier.arrive $0xFFFF  }
0xd4: {  	p0 =	sne.s32 s0, $0x0;
	s0 =	rddreg [dreg:$0x4]  }
0xd5: {  	s0 =	sadd.s32 @!p0 $0x100000, s0  }
0xd6: {  	[sflag:s0] =	ssyncadd.tile.s32 @!p0 $0x1;
	_ =	shalt  }
.Lfunc_end2:
_tile_overlayer_lowered:
.L_overlay_start_2:
0xd7: {  	(tag) =	ssettag $0x2  }
0xd8: {  	s0 =	rddreg [dreg:$0x0];
	s2 =	stileid.u32  }
0xd9: {  	s1 =	rddreg [dreg:$0x1];
	p0 =	sne.s32 s2, $0x0  }
0xda: {  	s3 =	rddreg [dreg:$0x2];
	[bflag:$0x3] =	sbarrier.arrive $0xFFFF;
	s2 =	simm.s32 @!p0 $0x1C07  }
0xdb: {  	[timem:s3], [sflag:s2] =	dma.local @!p0 [hbm:s0], s1  }
0xdc: {  	s0 =	simm.s32 @!p0 $0x7  }
0xdd: {  	_ =	swait.ge @!p0 [sflag:s0], s1  }
0xde: {  	s1 =	ssub.s32 @!p0 $0x0, s1;
	[sflag:s0] =	ssyncset.done @!p0 $0x0  }
0xdf: {  	[sflag:s0] =	ssyncadd.s32 @!p0 s1  }
0xe0: {  	[bflag:$0x3] =	sbarrier.arrive $0xFFFF  }
0xe1: {  	_ =	shalt  }

// kernel: kernel.7.cloned.1.call-start
scs
__scs_entry_jumppad:
0x0: {  	(pc) =	sbr.rel $0x88, $3  }
0x1: {  	(tag) =	ssettag $0x0;
	lr =	simm.s32 $0x1  }
0x2: {  	[smem:$0x3F98] =	sst lr;
	_ =	strace $0xD0000000  }
0x3: {  	_ = 	snop  }
0x4: {  	_ = 	snop  }
0x5: {  	_ = 	snop  }
0x6: {  	_ = 	snop  }
0x7: {  	_ = 	snop  }
__scs_overlays_trampoline_lowered:
0x8: {  	[smem:$0x3FA7] =	sst s0  }
0x9: {  	[smem:$0x3FA8] =	sst s1  }
0xa: {  	[smem:$0x3FA9] =	sst s2  }
0xb: {  	[smem:$0x3FAA] =	sst s3  }
0xc: {  	[smem:$0x3FAB] =	sst s4  }
0xd: {  	[smem:$0x3FAC] =	sst s5  }
0xe: {  	[smem:$0x3FAD] =	sst s6  }
0xf: {  	[smem:$0x3FAE] =	sst s7  }
0x10: {  	[smem:$0x3FAF] =	sst s8  }
0x11: {  	[smem:$0x3FB0] =	sst s9;
	s0 =	simm.s32 @!p0 $0x0  }
0x12: {  	s1 =	sld [smem:$0x3F96];
	s0 =	simm.s32 @p0 $0x1  }
0x13: {  	[smem:$0x3FB1] =	sst s0;
	s0 =	simm.s32 @!p1 $0x0  }
0x14: {  	s2 =	sld [smem:$0x3F95];
	s0 =	simm.s32 @p1 $0x1  }
0x15: {  	[smem:$0x3FB2] =	sst s0;
	s0 =	simm.s32 @!p2 $0x0  }
0x16: {  	s3 =	sld [smem:$0x3FDB];
	s0 =	simm.s32 @p2 $0x1  }
0x17: {  	s4 =	simm.s32 $0x1BF5;
	[smem:$0x3FB4] =	sst s0  }
0x18: {  	s0 =	sld [smem:$0x3F97];
	_ =	swait.ge [sflag:s4], $0x0  }
0x19: {  	s7 =	sld [smem:$0x3F98]  }
0x1a: {  	s8 =	sadd.s32 $0xFFFFE003, lr  }
0x1b: {  	s9 =	sadd.s32 $0xFFFFFEF7, lr;
	s5 =	simm.s32 $0xFFFFFFFF;
	p2 =	slt.u32 s8, $0xFFFFF086  }
0x1c: {  	p1 =	slt.u32 s9, $0xF7A;
	s5 =	simm.s32 @!p2 $0x0  }
0x1d: {  	s5 =	simm.s32 @p1 $0x1;
	p0 =	seq.s32 s7, s2  }
0x1e: {  	s7 =	smul.u32 @!p0 $0xF7A, s2;
	p2 =	seq.s32 @!p0 s5, $0x0  }
0x1f: {  	s9 =	smul.u32 $0xF7A, s1;
	s8 =	simm.s32 @!p0 $0x1BF5;
	p2 =	por !p2, p0  }
0x20: {  	[sflag:s8] =	ssyncset.s32 @!p0 $0xFFFFF086;
	s6 =	sadd.s32 @!p0 s3, s7;
	s7 =	simm.s32 @!p0 $0x108  }
0x21: {  	s3 =	sadd.s32 s3, s9;
	s6 =	sadd.s32 @!p0 $0x88, s6;
	s7 =	simm.s32 @p2 $0x1082  }
0x22: {  	[simem:s7], [sflag:s8] =	dma.local @!p0 [hbm:s6], $0xF7A  }
0x23: {  	s9 =	sor.u32 $0xD0000000, s2;
	s6 =	simm.s32 $0x108;
	_ =	swait.ge @!p0 [sflag:s8], $0x0  }
0x24: {  	s3 =	sadd.s32 $0x88, s3;
	s6 =	simm.s32 @!p1 $0x1082;
	[sflag:s4] =	ssyncset.s32 $0xFFFFF086  }
0x25: {  	[simem:s6], [sflag:s4] =	dma.local [hbm:s3], $0xF7A  }
0x26: {  	[smem:$0x3F98] =	sst s1;
	(tag) =	ssettag s2;
	_ =	strace s9  }
0x27: {  	s1 =	sld [smem:$0x3FA8]  }
0x28: {  	s2 =	sld [smem:$0x3FA9]  }
0x29: {  	s4 =	sld [smem:$0x3FAB]  }
0x2a: {  	p0 =	seq.s32 s5, $0x0;
	s5 =	sld [smem:$0x3FAC]  }
0x2b: {  	s6 =	sld [smem:$0x3FAD]  }
0x2c: {  	s7 =	sld [smem:$0x3FAE]  }
0x2d: {  	s3 =	simm.s32 $0x108;
	s8 =	sld [smem:$0x3FAF]  }
0x2e: {  	s3 =	simm.s32 @!p0 $0x1082;
	s9 =	sld [smem:$0x3FB0]  }
0x2f: {  	lr =	sadd.s32 s0, s3;
	s0 =	sld [smem:$0x3FA7]  }
0x30: {  	s3 =	sld [smem:$0x3FAA]  }
0x31: {  	[smem:$0x3FB3] =	sst s10  }
0x32: {  	s10 =	sld [smem:$0x3FB1];
	_ =	sdelay $0x3  }
0x33: {  	p0 =	seq.s32 s10, $0x1;
	s10 =	sld [smem:$0x3FB3];
	_ =	sdelay $0x3  }
0x34: {  	[smem:$0x3FB3] =	sst s10  }
0x35: {  	s10 =	sld [smem:$0x3FB2];
	_ =	sdelay $0x3  }
0x36: {  	p1 =	seq.s32 s10, $0x1;
	s10 =	sld [smem:$0x3FB3];
	_ =	sdelay $0x3  }
0x37: {  	[smem:$0x3FB3] =	sst s10  }
0x38: {  	s10 =	sld [smem:$0x3FB4]  }
0x39: {  	_ = 	snop;
	(pc) =	sbr.ind lr, $3  }
0x3a: {  	_ = 	snop  }
0x3b: {  	_ = 	snop  }
0x3c: {  	p2 =	seq.s32 s10, $0x1;
	s10 =	sld [smem:$0x3FB3]  }
0x3d: {  	_ =	shalt  }
0x3e: {  	_ =	shalt  }
0x3f: {  	_ =	shalt  }
0x40: {  	_ =	shalt  }
0x41: {  	_ =	shalt  }
0x42: {  	_ =	shalt  }
0x43: {  	_ =	shalt  }
0x44: {  	_ =	shalt  }
0x45: {  	_ =	shalt  }
0x46: {  	_ =	shalt  }
0x47: {  	_ =	shalt  }
0x48: {  	_ =	shalt  }
0x49: {  	_ =	shalt  }
0x4a: {  	_ =	shalt  }
0x4b: {  	_ =	shalt  }
0x4c: {  	_ =	shalt  }
0x4d: {  	_ =	shalt  }
0x4e: {  	_ =	shalt  }
0x4f: {  	_ =	shalt  }
0x50: {  	_ =	shalt  }
0x51: {  	_ =	shalt  }
0x52: {  	_ =	shalt  }
0x53: {  	_ =	shalt  }
0x54: {  	_ =	shalt  }
0x55: {  	_ =	shalt  }
0x56: {  	_ =	shalt  }
0x57: {  	_ =	shalt  }
0x58: {  	_ =	shalt  }
0x59: {  	_ =	shalt  }
0x5a: {  	_ =	shalt  }
0x5b: {  	_ =	shalt  }
0x5c: {  	_ =	shalt  }
0x5d: {  	_ =	shalt  }
0x5e: {  	_ =	shalt  }
0x5f: {  	_ =	shalt  }
0x60: {  	_ =	shalt  }
0x61: {  	_ =	shalt  }
0x62: {  	_ =	shalt  }
0x63: {  	_ =	shalt  }
0x64: {  	_ =	shalt  }
0x65: {  	_ =	shalt  }
0x66: {  	_ =	shalt  }
0x67: {  	_ =	shalt  }
0x68: {  	_ =	shalt  }
0x69: {  	_ =	shalt  }
0x6a: {  	_ =	shalt  }
0x6b: {  	_ =	shalt  }
0x6c: {  	_ =	shalt  }
0x6d: {  	_ =	shalt  }
0x6e: {  	_ =	shalt  }
0x6f: {  	_ =	shalt  }
0x70: {  	_ =	shalt  }
0x71: {  	_ =	shalt  }
0x72: {  	_ =	shalt  }
0x73: {  	_ =	shalt  }
0x74: {  	_ =	shalt  }
0x75: {  	_ =	shalt  }
0x76: {  	_ =	shalt  }
0x77: {  	_ =	shalt  }
0x78: {  	_ =	shalt  }
0x79: {  	_ =	shalt  }
0x7a: {  	_ =	shalt  }
0x7b: {  	_ =	shalt  }
0x7c: {  	_ =	shalt  }
0x7d: {  	_ =	shalt  }
0x7e: {  	_ =	shalt  }
0x7f: {  	_ =	shalt  }
0x80: {  	_ =	shalt  }
0x81: {  	_ =	shalt  }
0x82: {  	_ =	shalt  }
0x83: {  	_ =	shalt  }
0x84: {  	_ =	shalt  }
0x85: {  	_ =	shalt  }
0x86: {  	_ =	shalt  }
0x87: {  	_ =	shalt  }
.Lfunc_end0:
.L_simem_size_0:
called_computation_lowered:
.L_overlay_start_0:
0x88: {  	s2 =	sld [smem:$0x3FD9]  }
0x89: {  	s3 =	sld [smem:$0x3FFE];
	_ =	sdelay $0x1  }
0x8a: {  	s1 =	srdreg.scid  }
0x8b: {  	s0 =	sand.u32 $0x1, s1  }
0x8c: {  	s16 =	sshll.u32 s0, $0xA;
	s2 =	sadd.s32 s3, s2  }
0x8d: {  	s2 =	sadd.s32 s2, s16  }
0x8e: {  	[smem:$0x3FBF] =	sst s2  }
0x8f: {  	_ = 	snop  }
0x90: {  	(tm) =	ssettm $0x1  }
0x91: {  	s17 =	sld [smem:$0x3FFB];
	_ =	sdelay $0x3  }
0x92: {  	_ =	strace s17  }
0x93: {  	s2 =	sld [smem:$0x3FFC];
	_ =	sdelay $0x3  }
0x94: {  	_ =	strace s2  }
0x95: {  	s2 =	sld [smem:$0x3FFD];
	_ =	sdelay $0x3  }
0x96: {  	_ =	strace s2  }
0x97: {  	_ =	strace $0x8FFFFFFF  }
0x98: {  	s18 =	sld [smem:$0x3FDB];
	_ =	sdelay $0x1  }
0x99: {  	s19 =	simm.s32 $_scs_section_size  }
0x9a: {  	s4 =	simm.s32 $_size__tile_overlayer_lowered;
	s5 =	simm.s32 $_tile_overlayer_lowered  }
0x9b: {  	s22 =	simm.s32 $0x1BFF;
	s21 =	sshll.u32 s5, $0x1;
	s2 =	sadd.s32 s19, s18  }
0x9c: {  	s6 =	simm.s32 $0x0;
	s20 =	sshll.u32 s4, $0x1;
	s4 =	sadd.s32 s21, s2  }
0x9d: {  	[timem:s6], [sflag:s22] =	dma.local [hbm:s4], s20  }
0x9e: {  	_ =	swait.ge [sflag:s22], s20  }
0x9f: {  	s3 =	ssub.s32 $0x0, s20;
	[sflag:s22] =	ssyncset.done $0x0  }
0xa0: {  	[sflag:s22] =	ssyncadd.s32 s3;
	_ =	sdelay $0x1  }
0xa1: {  	s23 =	simm.s32 $0x1B8B  }
0xa2: {  	_ =	swait.ge [sflag:s23], $0x1  }
0xa3: {  	[sflag:s23] =	ssyncset.done $0x0  }
0xa4: {  	s25 =	simm.s32 $0x1B8E;
	s24 =	sld [smem:$0x3FFE];
	[sflag:s23] =	ssyncadd.s32 $0xFFFFFFFF  }
0xa5: {  	s26 =	simm.s32 $execute0_lowered;
	[smem:$0x3FD2] =	sst s25  }
0xa6: {  	s4 =	sshll.u32 s26, $0x1;
	_ =	strace $0x80000046;
	[dreg:$0x1] =	wrdreg $0xFFFFFFFF  }
0xa7: {  	s28 =	simm.s32 $_size_execute0_lowered;
	s2 =	sadd.s32 s2, s4;
	[dreg:$0x0] =	wrdreg $0x0  }
0xa8: {  	s4 =	sshll.u32 s28, $0x1;
	[dreg:$0x2] =	wrdreg s2  }
0xa9: {  	[dreg:$0x3] =	wrdreg s4  }
0xaa: {  	[dreg:$0x4] =	wrdreg $0xC0  }
0xab: {  	_ =	task [dreg:s6], $0x5FFFF  }
0xac: {  	[dreg:$0x1] =	wrdreg $0xFFFFFFFF  }
0xad: {  	[dreg:$0x0] =	wrdreg $0x60  }
0xae: {  	[dreg:$0x2] =	wrdreg s24  }
0xaf: {  	[dreg:$0x3] =	wrdreg $0x55000  }
0xb0: {  	[dreg:$0x4] =	wrdreg $0x9  }
0xb1: {  	_ =	task.clear_ibuf [dreg:s6], $0x5FFFF;
	_ =	strace $0x90000046  }
0xb2: {  	s29 =	simm.s32 $0x9;
	_ =	strace $0x80000048  }
0xb3: {  	_ =	swait.ge [sflag:s29], $0x1  }
0xb4: {  	[sflag:s29] =	ssyncadd.s32 $0xFFFFFFFF  }
0xb5: {  	_ =	strace $0x90000048  }
0xb6: {  	_ =	sfence  }
0xb7: {  	s30 =	sld [smem:$0x0];
	_ =	sdelay $0x2  }
0xb8: {  	s31 =	sshll.u32 s1, $0xD;
	s1 =	sshrl.u32 s1, $0x2  }
0xb9: {  	s3 =	sand.u32 $0x4000, s31;
	s1 =	sadd.s32 s1, s30  }
0xba: {  	s0 =	sor.u32 s3, s0;
	s1 =	sshll.u32 s1, $0x11  }
0xbb: {  	s0 =	sor.u32 s1, s0  }
0xbc: {  	s0 =	sadd.s32 $0x8F2B, s0  }
0xbd: {  	[sflag:s0] =	ssyncadd.remote.s32 $0x1  }
0xbe: {  	_ =	sfence.sel $0xFFFF  }
0xbf: {  	[dreg:$0x0] =	wrdreg $0xFFFFFFFF;
	(pc) =	sbr.abs _section_cstart, $3  }
0xc0: {  	[dreg:$0x1] =	wrdreg $0xFFFFFFFF  }
0xc1: {  	_ =	task.clear_ibuf [dreg:s6], $0x2FFFF;
	_ =	strace $0x9FFFFFFF  }
0xc2: {  	(tm) =	ssettm $0x7FFFFFFF  }
0xc3: {  	_ =	shalt  }
tec
execute0_lowered:
.L_overlay_start_1:
0x0: {  	(tag) =	ssettag $0x1  }
0x1: {  	s3 =	rddreg [dreg:$0x0]  }
0x2: {  	s5 =	rddreg [dreg:$0x1]  }
0x3: {  	s1 =	stileid.u32;
	s0 =	rddreg [dreg:$0x2];
	s2 =	simm.s32 $0x0  }
0x4: {  	s7 =	srdreg.scid;
	s11 =	simm.s32 $0x2800;
	s12 =	simm.s32 $0x5000  }
0x5: {  	s13 =	simm.s32 $0x5280;
	s14 =	simm.s32 $0x0;
	s31 =	smul.u32 $0x50, s1  }
0x6: {  	s4 =	sshrl.u32 s1, $0x3;
	s6 =	sshll.u32 s1, $0x7;
	s9 =	smul.u32 $0x5000, s1  }
0x7: {  	[smem:$0x7FF] =	sst s2;
	s7 =	sand.u32 $0x1, s7;
	s4 =	smul.u32 $0x14000, s4  }
0x8: {  	s6 =	sand.u32 $0x380, s6;
	s7 =	ssub.s32 $0x2, s7;
	_ =	strace $0x80000047  }
0x9: {  	s10 =	sshrl.u32 s7, $0x1;
	s9 =	sshrl.u32 s9, $0x2;
	s4 =	sor.u32 s6, s4  }
0xa: {  	s6 =	sadd.s32 s31, s3;
	s7 =	ssub.s32 s7, s10;
	s10 =	simm.s32 $0x1  }
0xb: {  	s8 =	sshrl.u32 s4, $0x3;
	s4 =	sadd.s32 s4, s5;
	s5 =	sadd.s32 s9, s5  }
0xc: {  	s6 =	sadd.s32 $0x6400, s6;
	s7 =	smax.u32 s7, $0x1;
	s8 =	sadd.s32 s8, s3  }
0xd: {  	v0 =	vimm.f32 $0.0e+00;
	v1 =	vimm.f32 $1.000000000e+00;
	s9 =	simm.s32 $0x400;
	s3 =	sadd.s32 $0x1400, s8;
	s8 =	simm.s32 $0x80  }
.LBB2_1:
0xe: {  	[tilespmem:s2], [sflag:$0x1] =	stream.strided.gather [hbm4b:s3+s8], $0x2800, s9, s8, $0x38;
	[tilespmem:$0x7D00] =	vst v63  }
0xf: {  	_ =	swait.ge [sflag:s10], $0x2800  }
0x10: {  	[sflag:s10] =	ssyncset.done $0x0  }
0x11: {  	s15 =	simm.s32 $0x0;
	[sflag:s10] =	ssyncadd.s32 $0xFFFFD800  }
.LBB2_2:
0x12: {  	p0 =	sne.s32 s15, $0x9FC0  }
.Ltmp0:
0x13: {  	_ = 	snop;
	(pc) =	sbr.rel @p0 .LBB2_2-.Ltmp0, $3  }
0x14: {  	_ =	sdelay $0x1  }
0x15: {  	s16 =	sshra.s32 s15, $0x2  }
0x16: {  	s15 =	sadd.s32 $0x40, s15;
	[tilespmem:s16+$0x2800] =	vst v0  }
0x17: {  	s16 =	simm.s32 $0x0;
	s15 =	simm.s32 $0x40  }
.LBB2_4:
0x18: {  	p0 =	sne.s32 s15, $0x9FC0;
	v2 =	vld [tilespmem:s16+$0x0];
	_ =	sdelay $0x3  }
.Ltmp1:
0x19: {  	(pc) =	sbr.rel @p0 .LBB2_4-.Ltmp1, $2  }
0x1a: {  	_ =	sdelay $0x2  }
0x1b: {  	s16 =	sshra.s32 s15, $0x2;
	s15 =	sadd.s32 $0x40, s15;
	[tilespmem:v2+s11+$0x0] =	vst.idx.add.f32.msk $0xffff, v1  }
0x1c: {  	v2 =	vld [tilespmem:s16+$0x0];
	_ =	sdelay $0x7  }
0x1d: {  	s15 =	simm.s32 $0x1;
	[tilespmem:v2+s11+$0x0] =	vst.idx.add.f32.msk $0xffff, v1  }
0x1e: {  	[spmem:s4] =	stream.strided.scatter [tilespmem:s11], [sflag:$0x1], $0x2800, s9, s8, $0x38;
	[tilespmem:$0x7D00] =	vst v63  }
0x1f: {  	_ =	swait.ge [sflag:s15], $0x2800  }
0x20: {  	[sflag:s15] =	ssyncset.done $0x0  }
0x21: {  	[sflag:s15] =	ssyncadd.s32 $0xFFFFD800  }
0x22: {  	[bflag:$0x0] =	sbarrier.arrive $0xFFFF  }
0x23: {  	[tilespmem:s12], [sflag:$0x1] =	stream.strided.gather [spmem:s5], $0x280, s9, s8, $0x38;
	[tilespmem:$0x7D00] =	vst v63  }
0x24: {  	_ =	swait.ge [sflag:s15], $0x280  }
0x25: {  	[sflag:s15] =	ssyncset.done $0x0  }
0x26: {  	[sflag:s15] =	ssyncadd.s32 $0xFFFFFD80  }
.LBB2_6:
0x27: {  	s16 =	sshrl.u32 s15, $0x3  }
0x28: {  	s16 =	smul.u32 $0x50000, s16;
	_ =	sdelay $0x1  }
0x29: {  	s17 =	sshll.u32 s15, $0x7;
	s16 =	sshra.s32 s16, $0x2  }
0x2a: {  	s17 =	sand.u32 $0x380, s17;
	s16 =	sadd.s32 s16, s5  }
0x2b: {  	s16 =	sadd.s32 s17, s16  }
0x2c: {  	[tilespmem:s13], [sflag:$0x1] =	stream.strided.gather [spmem:s16], $0x280, s9, s8, $0x38;
	[tilespmem:$0x7D00] =	vst v63  }
0x2d: {  	_ =	swait.ge [sflag:s10], $0x280  }
0x2e: {  	[sflag:s10] =	ssyncset.done $0x0  }
0x2f: {  	s16 =	simm.s32 $0x0;
	[sflag:s10] =	ssyncadd.s32 $0xFFFFFD80  }
0x30: {  	s17 =	simm.s32 $0x40;
	v2 =	vld [tilespmem:s16+$0x5280]  }
.LBB2_7:
0x31: {  	p0 =	sne.s32 s17, $0x9C0;
	v3 =	vld [tilespmem:s16+$0x5000];
	_ =	sdelay $0x2  }
.Ltmp2:
0x32: {  	(pc) =	sbr.rel @p0 .LBB2_7-.Ltmp2, $4  }
0x33: {  	_ = 	snop  }
0x34: {  	v3 =	vadd.f32 v2, v3  }
0x35: {  	s18 =	sshra.s32 s17, $0x2  }
0x36: {  	s17 =	sadd.s32 $0x40, s17;
	v2 =	vld [tilespmem:s18+$0x5280];
	[tilespmem:s16+$0x5000] =	vst v3;
	s16 =	smov.u32 s18  }
0x37: {  	v3 =	vld [tilespmem:s16+$0x5000]  }
0x38: {  	s15 =	sadd.s32 $0x1, s15  }
0x39: {  	p0 =	sne.s32 s15, $0x10  }
.Ltmp3:
0x3a: {  	_ = 	snop;
	(pc) =	sbr.rel @p0 .LBB2_6-.Ltmp3, $3  }
0x3b: {  	_ = 	snop  }
0x3c: {  	v2 =	vadd.f32 v2, v3;
	_ =	sdelay $0x1  }
0x3d: {  	[tilespmem:s16+$0x5000] =	vst v2  }
0x3e: {  	s15 =	simm.s32 $0x0;
	s16 =	simm.s32 $0x40  }
.LBB2_10:
0x3f: {  	p0 =	sne.s32 s16, $0x9C0;
	v2 =	vld [tilespmem:s15+$0x5000];
	_ =	sdelay $0x4  }
0x40: {  	v3 =	vshrl.u32 v2, $0x1;
	v4 =	vmul.f32 $5.000000000e-01, v2  }
0x41: {  	v3 =	vsub.s32 $0x5F3759DF, v3  }
0x42: {  	v5 =	vmul.f32 v3, v4;
	_ =	sdelay $0x1  }
0x43: {  	v5 =	vmul.f32 v3, v5;
	_ =	sdelay $0x1  }
0x44: {  	v5 =	vsub.f32 $1.500000000e+00, v5;
	_ =	sdelay $0x1  }
0x45: {  	v3 =	vmul.f32 v3, v5;
	_ =	sdelay $0x1  }
0x46: {  	v5 =	vmul.f32 v3, v4;
	_ =	sdelay $0x1  }
0x47: {  	v5 =	vmul.f32 v5, v3;
	_ =	sdelay $0x1  }
0x48: {  	v5 =	vsub.f32 $1.500000000e+00, v5;
	_ =	sdelay $0x1  }
0x49: {  	v3 =	vmul.f32 v5, v3;
	_ =	sdelay $0x1  }
0x4a: {  	v4 =	vmul.f32 v3, v4;
	_ =	sdelay $0x1  }
0x4b: {  	v4 =	vmul.f32 v4, v3;
	_ =	sdelay $0x1  }
0x4c: {  	v4 =	vsub.f32 $1.500000000e+00, v4  }
.Ltmp4:
0x4d: {  	(pc) =	sbr.rel @p0 .LBB2_10-.Ltmp4, $4  }
0x4e: {  	v3 =	vmul.f32 v4, v3  }
0x4f: {  	vm0 =	vgt.f32 v2, $5.000000000e-01  }
0x50: {  	v2 =	vnsel vm0, $0x0, v3  }
0x51: {  	[tilespmem:s15+$0x5000] =	vst v2;
	s15 =	sshra.s32 s16, $0x2;
	s16 =	sadd.s32 $0x40, s16  }
0x52: {  	v2 =	vld [tilespmem:s15+$0x5000];
	_ =	sdelay $0x4  }
0x53: {  	v3 =	vshrl.u32 v2, $0x1;
	v4 =	vmul.f32 $5.000000000e-01, v2  }
0x54: {  	v3 =	vsub.s32 $0x5F3759DF, v3  }
0x55: {  	v5 =	vmul.f32 v3, v4;
	_ =	sdelay $0x1  }
0x56: {  	v5 =	vmul.f32 v3, v5;
	_ =	sdelay $0x1  }
0x57: {  	v5 =	vsub.f32 $1.500000000e+00, v5;
	_ =	sdelay $0x1  }
0x58: {  	v3 =	vmul.f32 v3, v5;
	_ =	sdelay $0x1  }
0x59: {  	v5 =	vmul.f32 v3, v4;
	_ =	sdelay $0x1  }
0x5a: {  	v5 =	vmul.f32 v5, v3;
	_ =	sdelay $0x1  }
0x5b: {  	v5 =	vsub.f32 $1.500000000e+00, v5;
	_ =	sdelay $0x1  }
0x5c: {  	v3 =	vmul.f32 v5, v3;
	_ =	sdelay $0x1  }
0x5d: {  	v4 =	vmul.f32 v3, v4;
	_ =	sdelay $0x1  }
0x5e: {  	v4 =	vmul.f32 v4, v3;
	_ =	sdelay $0x1  }
0x5f: {  	v4 =	vsub.f32 $1.500000000e+00, v4;
	_ =	sdelay $0x1  }
0x60: {  	v3 =	vmul.f32 v4, v3  }
0x61: {  	s14 =	sadd.s32 $0x1, s14;
	vm0 =	vgt.f32 v2, $5.000000000e-01  }
0x62: {  	p0 =	sne.s32 s14, s7;
	v2 =	vnsel vm0, $0x0, v3  }
.Ltmp5:
0x63: {  	[tilespmem:s15+$0x5000] =	vst v2;
	(pc) =	sbr.rel @p0 .LBB2_1-.Ltmp5, $4  }
0x64: {  	[hbm4b:s6+s2] =	stream.linear.scatter [tilespmem:s12], [sflag:$0x1], $0x280, $0x38;
	[tilespmem:$0x7D00] =	vst v63  }
0x65: {  	_ =	swait.ge [sflag:s10], $0x280  }
0x66: {  	[sflag:s10] =	ssyncset.done $0x0  }
0x67: {  	[sflag:s10] =	ssyncadd.s32 $0xFFFFFD80  }
0x68: {  	_ =	sfence.sel $0x180000  }
0x69: {  	[bflag:$0x0] =	sbarrier.arrive $0xFFFF  }
0x6a: {  	p0 =	sne.s32 s1, $0x0;
	_ =	strace $0x90000047  }
0x6b: {  	s0 =	sadd.s32 @!p0 $0x100000, s0;
	[bflag:$0x2] =	sbarrier.arrive $0xFFFF  }
0x6c: {  	[sflag:s0] =	ssyncadd.tile.s32 @!p0 $0x1;
	_ =	shalt  }
.Lfunc_end2:
_tile_overlayer_lowered:
.L_overlay_start_2:
0x6d: {  	(tag) =	ssettag $0x2  }
0x6e: {  	s0 =	rddreg [dreg:$0x0];
	s2 =	stileid.u32  }
0x6f: {  	s1 =	rddreg [dreg:$0x1];
	p0 =	sne.s32 s2, $0x0  }
0x70: {  	s3 =	rddreg [dreg:$0x2];
	[bflag:$0x3] =	sbarrier.arrive $0xFFFF;
	s2 =	simm.s32 @!p0 $0x1C01  }
0x71: {  	[timem:s3], [sflag:s2] =	dma.local @!p0 [hbm:s0], s1  }
0x72: {  	s0 =	simm.s32 @!p0 $0x1  }
0x73: {  	_ =	swait.ge @!p0 [sflag:s0], s1  }
0x74: {  	s1 =	ssub.s32 @!p0 $0x0, s1;
	[sflag:s0] =	ssyncset.done @!p0 $0x0  }
0x75: {  	[sflag:s0] =	ssyncadd.s32 @!p0 s1  }
0x76: {  	[bflag:$0x3] =	sbarrier.arrive $0xFFFF  }
0x77: {  	_ =	shalt  }

</sc_bundles>
